<compile_context>
chip_gen: v7x
topology: tpu7x:2x2x1
jax: 0.10.2.dev20260603
libtpu: 0.0.44.dev20260713+nightly
codegen_flags: <defaults>
</compile_context>

<pallas_src>
import jax
import jax.numpy as jnp
from jax.experimental import pallas as pl
from jax.experimental.pallas import tpu as pltpu
from jax.experimental.pallas import tpu_sc as plsc

HID = 1024
FFD = 2048
FH = FFD // 2
NE = 8
T = 2048
TB = 128
FB = 256
GBLK = T // TB + NE
S = GBLK * TB
CH = 256
IPT = HID // CH
NI = T * IPT
SCWIN = 128


def _route_body(x_ref, w_ref, scores_ref, idx_ref, bexp_ref, nact_ref,
                xb16_ref):
    x = x_ref[...]
    xb16_ref[...] = x.astype(jnp.bfloat16)
    logits = jnp.dot(x, w_ref[...], preferred_element_type=jnp.float32)
    m = jnp.max(logits, axis=1, keepdims=True)
    lane = jax.lax.broadcasted_iota(jnp.int32, (T, NE), 1)
    mi = jnp.min(jnp.where(logits == m, lane, NE), axis=1, keepdims=True)
    onehot = lane == mi
    scores_ref[...] = jnp.where(onehot, jax.nn.sigmoid(logits), 0.0)

    oh = onehot.astype(jnp.int32)
    c = oh
    sh = 1
    while sh < T:
        c = c + jnp.pad(c, ((sh, 0), (0, 0)))[:T]
        sh *= 2
    rank_excl = c - oh
    counts = c[T - 1:T, :]

    nblk = (counts + TB - 1) // TB
    e = nblk
    sh = 1
    while sh < NE:
        e = e + jnp.pad(e, ((0, 0), (sh, 0)))[:, :NE]
        sh *= 2
    cum_incl = e
    off = (cum_incl - nblk) * TB

    rank_sel = jnp.sum(jnp.where(onehot, rank_excl, 0), axis=1, keepdims=True)
    off_sel = jnp.sum(jnp.where(onehot, jnp.broadcast_to(off, (T, NE)), 0),
                      axis=1, keepdims=True)
    dest = off_sel + rank_sel
    j_io = jax.lax.broadcasted_iota(jnp.int32, (T, IPT), 1)
    idx_ref[...] = dest * IPT + j_io

    nact = cum_incl[0:1, NE - 1:NE]
    nact_ref[...] = nact
    g_io = jax.lax.broadcasted_iota(jnp.int32, (GBLK, NE), 0)
    g_eff = jnp.minimum(g_io, nact - 1)
    bexp_ref[...] = jnp.sum((g_eff >= cum_incl).astype(jnp.int32),
                            axis=1, keepdims=True)


def _route(x, router_w):
    return pl.pallas_call(
        _route_body,
        out_shape=(
            jax.ShapeDtypeStruct((T, NE), jnp.float32),
            jax.ShapeDtypeStruct((T, IPT), jnp.int32),
            jax.ShapeDtypeStruct((GBLK, 1), jnp.int32),
            jax.ShapeDtypeStruct((1, 1), jnp.int32),
            jax.ShapeDtypeStruct((T, HID), jnp.bfloat16),
        ),
    )(x, router_w)


def _gmm_body(bexp_ref, nact_ref, x_ref, wg_ref, wu_ref, wd_ref, y_ref):
    g = pl.program_id(0)

    @pl.when(g < nact_ref[0])
    def _():
        xb = x_ref[...].astype(jnp.bfloat16)
        wg = wg_ref[0].astype(jnp.bfloat16)
        wu = wu_ref[0].astype(jnp.bfloat16)
        wd = wd_ref[0].astype(jnp.bfloat16)
        gg = jnp.dot(xb, wg, preferred_element_type=jnp.float32)
        uu = jnp.dot(xb, wu, preferred_element_type=jnp.float32)
        h = (gg * jax.nn.sigmoid(gg) * uu).astype(jnp.bfloat16)
        y_ref[...] = jnp.dot(h, wd, preferred_element_type=jnp.float32)


def _gmm(bexp1d, nact1d, x_pad, eg, eu, ed):
    grid_spec = pltpu.PrefetchScalarGridSpec(
        num_scalar_prefetch=2,
        grid=(GBLK,),
        in_specs=[
            pl.BlockSpec((TB, HID),
                         lambda g, bexp, nact: (jnp.minimum(g, nact[0] - 1), 0)),
            pl.BlockSpec((1, HID, FFD), lambda g, bexp, nact: (bexp[g], 0, 0)),
            pl.BlockSpec((1, HID, FFD), lambda g, bexp, nact: (bexp[g], 0, 0)),
            pl.BlockSpec((1, FFD, HID), lambda g, bexp, nact: (bexp[g], 0, 0)),
        ],
        out_specs=pl.BlockSpec(
            (TB, HID), lambda g, bexp, nact: (jnp.minimum(g, nact[0] - 1), 0)),
    )
    return pl.pallas_call(
        _gmm_body,
        grid_spec=grid_spec,
        out_shape=jax.ShapeDtypeStruct((S, HID), jnp.float32),
        compiler_params=pltpu.CompilerParams(
            vmem_limit_bytes=120 * 1024 * 1024),
    )(bexp1d, nact1d, x_pad, eg, eu, ed)


def _vector_mesh():
    return plsc.VectorSubcoreMesh(core_axis_name="core",
                                  subcore_axis_name="subcore")


def _sc_dispatch(x2, idx2d):
    @pl.kernel(out_type=jax.ShapeDtypeStruct((S * IPT, CH), jnp.float32),
               mesh=_vector_mesh())
    def k(x_hbm, i_hbm, o_hbm):
        def body(x_vmem, i_vmem):
            pltpu.sync_copy(x_vmem, o_hbm.at[i_vmem.at[0]])

        pltpu.emit_pipeline(
            body,
            grid=(NI // SCWIN,),
            in_specs=[pl.BlockSpec((SCWIN, CH), lambda i: (i, 0)),
                      pl.BlockSpec((1, SCWIN), lambda i: (0, i))],
            out_specs=[],
            core_axis_name=("core", "subcore"),
            dimension_semantics=(pltpu.PARALLEL,),
        )(x_hbm, i_hbm)

    return k(x2, idx2d)


def _sc_combine(y2, idx2d):
    @pl.kernel(out_type=jax.ShapeDtypeStruct((NI, CH), jnp.float32),
               mesh=_vector_mesh())
    def k(y_hbm, i_hbm, o_hbm):
        def body(i_vmem, o_vmem):
            pltpu.sync_copy(y_hbm.at[i_vmem.at[0]], o_vmem)

        pltpu.emit_pipeline(
            body,
            grid=(NI // SCWIN,),
            in_specs=[pl.BlockSpec((1, SCWIN), lambda i: (0, i))],
            out_specs=[pl.BlockSpec((SCWIN, CH), lambda i: (i, 0))],
            core_axis_name=("core", "subcore"),
            dimension_semantics=(pltpu.PARALLEL,),
        )(i_hbm, o_hbm)

    return k(y2, idx2d)


def _shared_add_body(x_ref, wg_ref, wu_ref, wd_ref, yt_ref, sc_ref, out_ref):
    xb = x_ref[...]
    wg = wg_ref[...].astype(jnp.bfloat16)
    wu = wu_ref[...].astype(jnp.bfloat16)
    wd = wd_ref[...].astype(jnp.bfloat16)
    gg = jnp.dot(xb, wg, preferred_element_type=jnp.float32)
    uu = jnp.dot(xb, wu, preferred_element_type=jnp.float32)
    h = (gg * jax.nn.sigmoid(gg) * uu).astype(jnp.bfloat16)
    y_sh = jnp.dot(h, wd, preferred_element_type=jnp.float32)
    s = jnp.sum(sc_ref[...], axis=1, keepdims=True)
    out_ref[...] = y_sh + yt_ref[...] * s


def _shared_add(x, sg, su, sd, y_tok, scores):
    return pl.pallas_call(
        _shared_add_body,
        grid=(T // FB,),
        in_specs=[
            pl.BlockSpec((FB, HID), lambda i: (i, 0)),
            pl.BlockSpec((HID, FFD), lambda i: (0, 0)),
            pl.BlockSpec((HID, FFD), lambda i: (0, 0)),
            pl.BlockSpec((FFD, HID), lambda i: (0, 0)),
            pl.BlockSpec((FB, HID), lambda i: (i, 0)),
            pl.BlockSpec((FB, NE), lambda i: (i, 0)),
        ],
        out_specs=pl.BlockSpec((FB, HID), lambda i: (i, 0)),
        out_shape=jax.ShapeDtypeStruct((T, HID), jnp.float32),
        compiler_params=pltpu.CompilerParams(
            vmem_limit_bytes=120 * 1024 * 1024),
    )(x, sg, su, sd, y_tok, scores)


def kernel(hidden_states, router_w, shared_gate, shared_up, shared_down,
           expert_gate, expert_up, expert_down):
    x = hidden_states.reshape(-1, HID)

    scores, idx, bexp, nact, xb16 = _route(x, router_w)
    idx2d = idx.reshape(1, NI)
    bexp1d = bexp.reshape(GBLK)
    nact1d = nact.reshape(1)

    x_pad = _sc_dispatch(x.reshape(T * IPT, CH), idx2d).reshape(S, HID)

    y_pad = _gmm(bexp1d, nact1d, x_pad, expert_gate, expert_up, expert_down)

    y_tok = _sc_combine(y_pad.reshape(S * IPT, CH), idx2d).reshape(T, HID)

    out = _shared_add(xb16, shared_gate, shared_up, shared_down, y_tok, scores)

    return (out, scores.T)

# --- scband reference (transcript-rebuilt; emitter-appended) ---
"""Pipeline reference for scband-sequential-llama4-text-moe-86019605004825 (READ-ONLY COPY).

The authoritative reference and input builder live on the scoring server;
editing this copy changes nothing except your own understanding.
"""

import jax, jax.numpy as jnp
import numpy as np

HIDDEN = 1024
FF = 2048
E = 8
TOP_K = 1


def _mlp(x, wg, wu, wd):
    # Llama4TextMLP: down(silu(gate(x)) * up(x)); weights stored as [in, out]
    return (jax.nn.silu(x @ wg) * (x @ wu)) @ wd


def setup_inputs(seed: int = 0) -> dict:
    key = jax.random.key(seed)
    ks = jax.random.split(key, 8)
    s = 0.02
    return {
        "hidden_states": jax.random.normal(ks[0], (1, 2048, HIDDEN), dtype=jnp.float32),
        "router_w": jax.random.normal(ks[1], (HIDDEN, E), dtype=jnp.float32) * s,
        "shared_gate": jax.random.normal(ks[2], (HIDDEN, FF), dtype=jnp.float32) * s,
        "shared_up": jax.random.normal(ks[3], (HIDDEN, FF), dtype=jnp.float32) * s,
        "shared_down": jax.random.normal(ks[4], (FF, HIDDEN), dtype=jnp.float32) * s,
        "expert_gate": jax.random.normal(ks[5], (E, HIDDEN, FF), dtype=jnp.float32) * s,
        "expert_up": jax.random.normal(ks[6], (E, HIDDEN, FF), dtype=jnp.float32) * s,
        "expert_down": jax.random.normal(ks[7], (E, FF, HIDDEN), dtype=jnp.float32) * s,
    }


def reference(hidden_states, router_w, shared_gate, shared_up, shared_down,
              expert_gate, expert_up, expert_down):
    x = hidden_states.reshape(-1, HIDDEN)
    T = x.shape[0]
    router_logits = x @ router_w  # [T, E]
    top_vals, top_idx = jax.lax.top_k(router_logits, TOP_K)
    router_scores = jnp.full_like(router_logits, -jnp.inf)
    router_scores = router_scores.at[jnp.arange(T)[:, None], top_idx].set(top_vals)
    router_scores = router_scores.T  # [E, T]
    router_scores = jax.nn.sigmoid(router_scores.astype(jnp.float32)).astype(x.dtype)
    out = _mlp(x, shared_gate, shared_up, shared_down)
    for i in range(E):
        out = out + _mlp(x, expert_gate[i], expert_up[i], expert_down[i]) * router_scores[i][:, None]
    return (out, router_scores)

if __name__ == "__main__":
    import jax
    _d = setup_inputs()
    print(jax.jit(kernel)(*tuple(_d.values())))

</pallas_src>

<mosaic_0001>
#map = affine_map<(d0, d1) -> (0, 0)>
module attributes {stable_mosaic.version = 14 : i64} {
  func.func @k(%arg0: i32, %arg1: i32, %arg2: memref<8192x256xf32, #tpu.memory_space<hbm>>, %arg3: memref<1x8192xi32, #tpu.memory_space<hbm>>, %arg4: memref<12288x256xf32, #tpu.memory_space<hbm>>) attributes {dimension_semantics = [#tpu.dimension_semantics<core_parallel>, #tpu.dimension_semantics<subcore_parallel>], iteration_bounds = array<i64: 2, 16>, scalar_prefetch = 0 : i64, scratch_operands = 0 : i64, tpu.core_type = #tpu.core_type<sc_vector_subcore>, window_params = [{transform_indices = #map}, {transform_indices = #map}, {transform_indices = #map}]} {
    %mul3A = arith.constant 1 : i32
    %mul3A_0 = arith.muli %arg1, %mul3A : i32
    %add3A = arith.constant 0 : i32
    %add3A_1 = arith.addi %add3A, %mul3A_0 : i32
    %mul3A_2 = arith.constant 16 : i32
    %mul3A_3 = arith.muli %arg0, %mul3A_2 : i32
    %add3A_4 = arith.addi %add3A_1, %mul3A_3 : i32
    %mul3A_5 = arith.constant 2 : i32
    %mul3A_6 = arith.muli %add3A_4, %mul3A_5 : i32
    "tpu.region"() ({
      %run_scoped3A = memref.alloca() : memref<2x128x256xf32, #tpu.memory_space<vmem>>
      %run_scoped3A_7 = tpu.sem_alloc : memref<2x!tpu.dma_semaphore, #tpu.memory_space<semaphore_mem>>
      %run_scoped3A_8 = memref.alloca() : memref<2x1x128xi32, #tpu.memory_space<vmem>>
      %run_scoped3A_9 = tpu.sem_alloc : memref<2x!tpu.dma_semaphore, #tpu.memory_space<semaphore_mem>>
      %add3A_10 = arith.constant 0 : i32
      %add3A_11 = arith.addi %add3A_10, %mul3A_6 : i32
      %select_n3A = arith.constant true
      %select_n3A_12 = arith.constant 0 : i32
      %select_n3A_13 = arith.constant -1 : i32
      %select_n3A_14 = arith.select %select_n3A, %select_n3A_13, %select_n3A_12 : i32
      %eq3A = arith.constant -1 : i32
      %eq3A_15 = arith.cmpi eq, %select_n3A_14, %eq3A : i32
      %select_n3A_16 = arith.constant 1 : i32
      %select_n3A_17 = arith.select %eq3A_15, %select_n3A_16, %select_n3A_14 : i32
      %add3A_18 = arith.addi %select_n3A_17, %mul3A_6 : i32
      %select_n3A_19 = arith.constant true
      %select_n3A_20 = arith.constant 0 : i32
      %select_n3A_21 = arith.constant 1 : i32
      %select_n3A_22 = arith.select %select_n3A_19, %select_n3A_21, %select_n3A_20 : i32
      %eq3A_23 = arith.constant 2 : i32
      %eq3A_24 = arith.cmpi eq, %select_n3A_22, %eq3A_23 : i32
      %select_n3A_25 = arith.constant 0 : i32
      %select_n3A_26 = arith.select %eq3A_24, %select_n3A_25, %select_n3A_22 : i32
      %add3A_27 = arith.addi %select_n3A_26, %mul3A_6 : i32
      %add3A_28 = arith.constant 1 : i32
      %add3A_29 = arith.addi %select_n3A_26, %add3A_28 : i32
      %select_n3A_30 = arith.constant true
      %select_n3A_31 = arith.select %select_n3A_30, %add3A_29, %select_n3A_26 : i32
      %eq3A_32 = arith.constant 2 : i32
      %eq3A_33 = arith.cmpi eq, %select_n3A_31, %eq3A_32 : i32
      %select_n3A_34 = arith.constant 0 : i32
      %select_n3A_35 = arith.select %eq3A_33, %select_n3A_34, %select_n3A_31 : i32
      %add3A_36 = arith.addi %select_n3A_35, %mul3A_6 : i32
      "tpu.trace_start"() <{level = 10 : i32, message = "ep_initialize_0"}> : () -> ()
      %rem3A = arith.constant 0 : i32
      %rem3A_37 = arith.constant 2 : i32
      %rem3A_38 = arith.remui %rem3A, %rem3A_37 : i32
      %mul3A_39 = arith.constant 128 : i32
      %mul3A_40 = arith.muli %mul3A_39, %add3A_11 : i32
      %dma_start3A = arith.constant 0 : i32
      %dma_start3A_41 = arith.constant 0 : i32
      %dma_start3A_42 = tpu.memref_slice %run_scoped3A[%rem3A_38, %dma_start3A, %dma_start3A_41] : memref<2x128x256xf32, #tpu.memory_space<vmem>> -> memref<1x128x256xf32, #tpu.memory_space<vmem>>
      %dma_start3A_43 = tpu.memref_squeeze %dma_start3A_42 : memref<1x128x256xf32, #tpu.memory_space<vmem>> -> memref<128x256xf32, #tpu.memory_space<vmem>>
      %dma_start3A_44 = arith.constant 0 : i32
      %dma_start3A_45 = tpu.memref_slice %arg2[%mul3A_40, %dma_start3A_44] : memref<8192x256xf32, #tpu.memory_space<hbm>> -> memref<128x256xf32, #tpu.memory_space<hbm>>
      %dma_start3A_46 = tpu.memref_slice %run_scoped3A_7[%rem3A_38] : memref<2x!tpu.dma_semaphore, #tpu.memory_space<semaphore_mem>> -> memref<1x!tpu.dma_semaphore, #tpu.memory_space<semaphore_mem>>
      %dma_start3A_47 = tpu.memref_squeeze %dma_start3A_46 : memref<1x!tpu.dma_semaphore, #tpu.memory_space<semaphore_mem>> -> memref<!tpu.dma_semaphore, #tpu.memory_space<semaphore_mem>>
      %dma_start3A_48 = arith.constant 0 : i32
      %dma_start3A_49 = arith.constant 0 : i32
      %dma_start3A_50 = tpu.memref_slice %run_scoped3A[%rem3A_38, %dma_start3A_48, %dma_start3A_49] : memref<2x128x256xf32, #tpu.memory_space<vmem>> -> memref<1x128x256xf32, #tpu.memory_space<vmem>>
      %dma_start3A_51 = tpu.memref_squeeze %dma_start3A_50 : memref<1x128x256xf32, #tpu.memory_space<vmem>> -> memref<128x256xf32, #tpu.memory_space<vmem>>
      %dma_start3A_52 = arith.constant 0 : i32
      %dma_start3A_53 = tpu.memref_slice %arg2[%mul3A_40, %dma_start3A_52] : memref<8192x256xf32, #tpu.memory_space<hbm>> -> memref<128x256xf32, #tpu.memory_space<hbm>>
      tpu.enqueue_dma source(%dma_start3A_53 : memref<128x256xf32, #tpu.memory_space<hbm>>) target(%dma_start3A_51 : memref<128x256xf32, #tpu.memory_space<vmem>>) target_semaphore(%dma_start3A_47 : memref<!tpu.dma_semaphore, #tpu.memory_space<semaphore_mem>>)
      %add3A_54 = arith.constant 0 : i32
      %add3A_55 = arith.constant 1 : i32
      %add3A_56 = arith.addi %add3A_54, %add3A_55 : i32
      %select_n3A_57 = arith.constant true
      %select_n3A_58 = arith.constant 0 : i32
      %select_n3A_59 = arith.select %select_n3A_57, %add3A_56, %select_n3A_58 : i32
      %rem3A_60 = arith.constant 0 : i32
      %rem3A_61 = arith.constant 2 : i32
      %rem3A_62 = arith.remui %rem3A_60, %rem3A_61 : i32
      %mul3A_63 = arith.constant 128 : i32
      %mul3A_64 = arith.muli %mul3A_63, %add3A_11 : i32
      %dma_start3A_65 = arith.constant 0 : i32
      %dma_start3A_66 = arith.constant 0 : i32
      %dma_start3A_67 = tpu.memref_slice %run_scoped3A_8[%rem3A_62, %dma_start3A_65, %dma_start3A_66] : memref<2x1x128xi32, #tpu.memory_space<vmem>> -> memref<1x1x128xi32, #tpu.memory_space<vmem>>
      %dma_start3A_68 = tpu.memref_squeeze %dma_start3A_67 : memref<1x1x128xi32, #tpu.memory_space<vmem>> -> memref<1x128xi32, #tpu.memory_space<vmem>>
      %dma_start3A_69 = arith.constant 0 : i32
      %dma_start3A_70 = tpu.memref_slice %arg3[%dma_start3A_69, %mul3A_64] : memref<1x8192xi32, #tpu.memory_space<hbm>> -> memref<1x128xi32, #tpu.memory_space<hbm>>
      %dma_start3A_71 = tpu.memref_slice %run_scoped3A_9[%rem3A_62] : memref<2x!tpu.dma_semaphore, #tpu.memory_space<semaphore_mem>> -> memref<1x!tpu.dma_semaphore, #tpu.memory_space<semaphore_mem>>
      %dma_start3A_72 = tpu.memref_squeeze %dma_start3A_71 : memref<1x!tpu.dma_semaphore, #tpu.memory_space<semaphore_mem>> -> memref<!tpu.dma_semaphore, #tpu.memory_space<semaphore_mem>>
      %dma_start3A_73 = arith.constant 0 : i32
      %dma_start3A_74 = arith.constant 0 : i32
      %dma_start3A_75 = tpu.memref_slice %run_scoped3A_8[%rem3A_62, %dma_start3A_73, %dma_start3A_74] : memref<2x1x128xi32, #tpu.memory_space<vmem>> -> memref<1x1x128xi32, #tpu.memory_space<vmem>>
      %dma_start3A_76 = tpu.memref_squeeze %dma_start3A_75 : memref<1x1x128xi32, #tpu.memory_space<vmem>> -> memref<1x128xi32, #tpu.memory_space<vmem>>
      %dma_start3A_77 = arith.constant 0 : i32
      %dma_start3A_78 = tpu.memref_slice %arg3[%dma_start3A_77, %mul3A_64] : memref<1x8192xi32, #tpu.memory_space<hbm>> -> memref<1x128xi32, #tpu.memory_space<hbm>>
      tpu.enqueue_dma source(%dma_start3A_78 : memref<1x128xi32, #tpu.memory_space<hbm>>) target(%dma_start3A_76 : memref<1x128xi32, #tpu.memory_space<vmem>>) target_semaphore(%dma_start3A_72 : memref<!tpu.dma_semaphore, #tpu.memory_space<semaphore_mem>>)
      %add3A_79 = arith.constant 0 : i32
      %add3A_80 = arith.constant 1 : i32
      %add3A_81 = arith.addi %add3A_79, %add3A_80 : i32
      %select_n3A_82 = arith.constant true
      %select_n3A_83 = arith.constant 0 : i32
      %select_n3A_84 = arith.select %select_n3A_82, %add3A_81, %select_n3A_83 : i32
      "tpu.trace_stop"() : () -> ()
      %scan3A = arith.constant 0 : i32
      %scan3A_85 = arith.constant 0 : i32
      %scan3A_86 = arith.constant 0 : i32
      %scan3A_87 = arith.constant 0 : i32
      %scan3A_88 = arith.constant 2 : i32
      %scan3A_89 = arith.addi %scan3A_87, %scan3A_88 : i32
      %scan3A_90 = arith.constant 1 : i32
      %scan3A_91:5 = scf.for %scan3A_128 = %scan3A_87 to %scan3A_89 step %scan3A_90 iter_args(%scan3A_129 = %select_n3A_59, %scan3A_130 = %scan3A, %scan3A_131 = %select_n3A_84, %scan3A_132 = %scan3A_85, %scan3A_133 = %scan3A_86) -> (i32, i32, i32, i32, i32)  : i32 {
        %eq3A_134 = arith.constant 0 : i32
        %eq3A_135 = arith.cmpi eq, %scan3A_128, %eq3A_134 : i32
        %eq3A_136 = arith.constant 1 : i32
        %eq3A_137 = arith.cmpi eq, %scan3A_128, %eq3A_136 : i32
        %add3A_138 = arith.addi %scan3A_133, %mul3A_6 : i32
        %sub3A_139 = arith.constant 1 : i32
        %sub3A_140 = arith.subi %scan3A_133, %sub3A_139 : i32
        %select_n3A_141 = arith.constant true
        %select_n3A_142 = arith.select %select_n3A_141, %sub3A_140, %scan3A_133 : i32
        %eq3A_143 = arith.constant -1 : i32
        %eq3A_144 = arith.cmpi eq, %select_n3A_142, %eq3A_143 : i32
        %select_n3A_145 = arith.constant 1 : i32
        %select_n3A_146 = arith.select %eq3A_144, %select_n3A_145, %select_n3A_142 : i32
        %add3A_147 = arith.addi %select_n3A_146, %mul3A_6 : i32
        %add3A_148 = arith.constant 1 : i32
        %add3A_149 = arith.addi %scan3A_133, %add3A_148 : i32
        %select_n3A_150 = arith.constant true
        %select_n3A_151 = arith.select %select_n3A_150, %add3A_149, %scan3A_133 : i32
        %eq3A_152 = arith.constant 2 : i32
        %eq3A_153 = arith.cmpi eq, %select_n3A_151, %eq3A_152 : i32
        %select_n3A_154 = arith.constant 0 : i32
        %select_n3A_155 = arith.select %eq3A_153, %select_n3A_154, %select_n3A_151 : i32
        %add3A_156 = arith.addi %select_n3A_155, %mul3A_6 : i32
        %add3A_157 = arith.constant 1 : i32
        %add3A_158 = arith.addi %select_n3A_155, %add3A_157 : i32
        %select_n3A_159 = arith.constant true
        %select_n3A_160 = arith.select %select_n3A_159, %add3A_158, %select_n3A_155 : i32
        %eq3A_161 = arith.constant 2 : i32
        %eq3A_162 = arith.cmpi eq, %select_n3A_160, %eq3A_161 : i32
        %select_n3A_163 = arith.constant 0 : i32
        %select_n3A_164 = arith.select %eq3A_162, %select_n3A_163, %select_n3A_160 : i32
        %add3A_165 = arith.addi %select_n3A_164, %mul3A_6 : i32
        %ne3A = arith.cmpi ne, %add3A_138, %add3A_156 : i32
        %or3A = arith.constant false
        %or3A_166 = arith.ori %or3A, %ne3A : i1
        %or3A_167 = arith.constant false
        %or3A_168 = arith.ori %or3A_166, %or3A_167 : i1
        %ge3A = arith.constant 1 : i32
        %ge3A_169 = arith.cmpi sge, %scan3A_128, %ge3A : i32
        %not3A = arith.constant true
        %not3A_170 = arith.xori %ge3A_169, %not3A : i1
        %and3A = arith.andi %or3A_168, %not3A_170 : i1
        %convert_element_type3A = arith.extui %and3A : i1 to i32
        %cond3A = arith.constant 0 : i32
        %cond3A_171 = arith.cmpi ne, %convert_element_type3A, %cond3A : i32
        scf.if %cond3A_171 {
          "tpu.trace_start"() <{level = 10 : i32, message = "ep_copy_in"}> : () -> ()
          %rem3A_282 = arith.constant 2 : i32
          %rem3A_283 = arith.remui %scan3A_129, %rem3A_282 : i32
          %mul3A_284 = arith.constant 128 : i32
          %mul3A_285 = arith.muli %mul3A_284, %add3A_156 : i32
          %dma_start3A_286 = arith.constant 0 : i32
          %dma_start3A_287 = arith.constant 0 : i32
          %dma_start3A_288 = tpu.memref_slice %run_scoped3A[%rem3A_283, %dma_start3A_286, %dma_start3A_287] : memref<2x128x256xf32, #tpu.memory_space<vmem>> -> memref<1x128x256xf32, #tpu.memory_space<vmem>>
          %dma_start3A_289 = tpu.memref_squeeze %dma_start3A_288 : memref<1x128x256xf32, #tpu.memory_space<vmem>> -> memref<128x256xf32, #tpu.memory_space<vmem>>
          %dma_start3A_290 = arith.constant 0 : i32
          %dma_start3A_291 = tpu.memref_slice %arg2[%mul3A_285, %dma_start3A_290] : memref<8192x256xf32, #tpu.memory_space<hbm>> -> memref<128x256xf32, #tpu.memory_space<hbm>>
          %dma_start3A_292 = tpu.memref_slice %run_scoped3A_7[%rem3A_283] : memref<2x!tpu.dma_semaphore, #tpu.memory_space<semaphore_mem>> -> memref<1x!tpu.dma_semaphore, #tpu.memory_space<semaphore_mem>>
          %dma_start3A_293 = tpu.memref_squeeze %dma_start3A_292 : memref<1x!tpu.dma_semaphore, #tpu.memory_space<semaphore_mem>> -> memref<!tpu.dma_semaphore, #tpu.memory_space<semaphore_mem>>
          %dma_start3A_294 = arith.constant 0 : i32
          %dma_start3A_295 = arith.constant 0 : i32
          %dma_start3A_296 = tpu.memref_slice %run_scoped3A[%rem3A_283, %dma_start3A_294, %dma_start3A_295] : memref<2x128x256xf32, #tpu.memory_space<vmem>> -> memref<1x128x256xf32, #tpu.memory_space<vmem>>
          %dma_start3A_297 = tpu.memref_squeeze %dma_start3A_296 : memref<1x128x256xf32, #tpu.memory_space<vmem>> -> memref<128x256xf32, #tpu.memory_space<vmem>>
          %dma_start3A_298 = arith.constant 0 : i32
          %dma_start3A_299 = tpu.memref_slice %arg2[%mul3A_285, %dma_start3A_298] : memref<8192x256xf32, #tpu.memory_space<hbm>> -> memref<128x256xf32, #tpu.memory_space<hbm>>
          tpu.enqueue_dma source(%dma_start3A_299 : memref<128x256xf32, #tpu.memory_space<hbm>>) target(%dma_start3A_297 : memref<128x256xf32, #tpu.memory_space<vmem>>) target_semaphore(%dma_start3A_293 : memref<!tpu.dma_semaphore, #tpu.memory_space<semaphore_mem>>)
          "tpu.trace_stop"() : () -> ()
        } else {
        }
        %and3A_172 = arith.constant true
        %and3A_173 = arith.andi %and3A, %and3A_172 : i1
        %add3A_174 = arith.constant 1 : i32
        %add3A_175 = arith.addi %scan3A_129, %add3A_174 : i32
        %select_n3A_176 = arith.select %and3A_173, %add3A_175, %scan3A_129 : i32
        %ne3A_177 = arith.cmpi ne, %add3A_138, %add3A_156 : i32
        %or3A_178 = arith.constant false
        %or3A_179 = arith.ori %or3A_178, %ne3A_177 : i1
        %ge3A_180 = arith.constant 1 : i32
        %ge3A_181 = arith.cmpi sge, %scan3A_128, %ge3A_180 : i32
        %not3A_182 = arith.constant true
        %not3A_183 = arith.xori %ge3A_181, %not3A_182 : i1
        %and3A_184 = arith.andi %or3A_179, %not3A_183 : i1
        %convert_element_type3A_185 = arith.extui %and3A_184 : i1 to i32
        %cond3A_186 = arith.constant 0 : i32
        %cond3A_187 = arith.cmpi ne, %convert_element_type3A_185, %cond3A_186 : i32
        scf.if %cond3A_187 {
          "tpu.trace_start"() <{level = 10 : i32, message = "ep_copy_in"}> : () -> ()
          %rem3A_282 = arith.constant 2 : i32
          %rem3A_283 = arith.remui %scan3A_131, %rem3A_282 : i32
          %mul3A_284 = arith.constant 128 : i32
          %mul3A_285 = arith.muli %mul3A_284, %add3A_156 : i32
          %dma_start3A_286 = arith.constant 0 : i32
          %dma_start3A_287 = arith.constant 0 : i32
          %dma_start3A_288 = tpu.memref_slice %run_scoped3A_8[%rem3A_283, %dma_start3A_286, %dma_start3A_287] : memref<2x1x128xi32, #tpu.memory_space<vmem>> -> memref<1x1x128xi32, #tpu.memory_space<vmem>>
          %dma_start3A_289 = tpu.memref_squeeze %dma_start3A_288 : memref<1x1x128xi32, #tpu.memory_space<vmem>> -> memref<1x128xi32, #tpu.memory_space<vmem>>
          %dma_start3A_290 = arith.constant 0 : i32
          %dma_start3A_291 = tpu.memref_slice %arg3[%dma_start3A_290, %mul3A_285] : memref<1x8192xi32, #tpu.memory_space<hbm>> -> memref<1x128xi32, #tpu.memory_space<hbm>>
          %dma_start3A_292 = tpu.memref_slice %run_scoped3A_9[%rem3A_283] : memref<2x!tpu.dma_semaphore, #tpu.memory_space<semaphore_mem>> -> memref<1x!tpu.dma_semaphore, #tpu.memory_space<semaphore_mem>>
          %dma_start3A_293 = tpu.memref_squeeze %dma_start3A_292 : memref<1x!tpu.dma_semaphore, #tpu.memory_space<semaphore_mem>> -> memref<!tpu.dma_semaphore, #tpu.memory_space<semaphore_mem>>
          %dma_start3A_294 = arith.constant 0 : i32
          %dma_start3A_295 = arith.constant 0 : i32
          %dma_start3A_296 = tpu.memref_slice %run_scoped3A_8[%rem3A_283, %dma_start3A_294, %dma_start3A_295] : memref<2x1x128xi32, #tpu.memory_space<vmem>> -> memref<1x1x128xi32, #tpu.memory_space<vmem>>
          %dma_start3A_297 = tpu.memref_squeeze %dma_start3A_296 : memref<1x1x128xi32, #tpu.memory_space<vmem>> -> memref<1x128xi32, #tpu.memory_space<vmem>>
          %dma_start3A_298 = arith.constant 0 : i32
          %dma_start3A_299 = tpu.memref_slice %arg3[%dma_start3A_298, %mul3A_285] : memref<1x8192xi32, #tpu.memory_space<hbm>> -> memref<1x128xi32, #tpu.memory_space<hbm>>
          tpu.enqueue_dma source(%dma_start3A_299 : memref<1x128xi32, #tpu.memory_space<hbm>>) target(%dma_start3A_297 : memref<1x128xi32, #tpu.memory_space<vmem>>) target_semaphore(%dma_start3A_293 : memref<!tpu.dma_semaphore, #tpu.memory_space<semaphore_mem>>)
          "tpu.trace_stop"() : () -> ()
        } else {
        }
        %and3A_188 = arith.constant true
        %and3A_189 = arith.andi %and3A_184, %and3A_188 : i1
        %add3A_190 = arith.constant 1 : i32
        %add3A_191 = arith.addi %scan3A_131, %add3A_190 : i32
        %select_n3A_192 = arith.select %and3A_189, %add3A_191, %scan3A_131 : i32
        %ne3A_193 = arith.cmpi ne, %add3A_138, %add3A_147 : i32
        %or3A_194 = arith.constant false
        %or3A_195 = arith.ori %or3A_194, %ne3A_193 : i1
        %or3A_196 = arith.constant false
        %or3A_197 = arith.ori %or3A_195, %or3A_196 : i1
        %or3A_198 = arith.ori %or3A_197, %eq3A_135 : i1
        %convert_element_type3A_199 = arith.extui %or3A_198 : i1 to i32
        %cond3A_200 = arith.constant 0 : i32
        %cond3A_201 = arith.cmpi ne, %convert_element_type3A_199, %cond3A_200 : i32
        scf.if %cond3A_201 {
          "tpu.trace_start"() <{level = 10 : i32, message = "ep_wait_in"}> : () -> ()
          %mul3A_282 = arith.constant 128 : i32
          %mul3A_283 = arith.muli %mul3A_282, %add3A_138 : i32
          %rem3A_284 = arith.constant 2 : i32
          %rem3A_285 = arith.remui %scan3A_130, %rem3A_284 : i32
          %dma_wait3A = arith.constant 0 : i32
          %dma_wait3A_286 = arith.constant 0 : i32
          %dma_wait3A_287 = tpu.memref_slice %run_scoped3A[%rem3A_285, %dma_wait3A, %dma_wait3A_286] : memref<2x128x256xf32, #tpu.memory_space<vmem>> -> memref<1x128x256xf32, #tpu.memory_space<vmem>>
          %dma_wait3A_288 = tpu.memref_squeeze %dma_wait3A_287 : memref<1x128x256xf32, #tpu.memory_space<vmem>> -> memref<128x256xf32, #tpu.memory_space<vmem>>
          %dma_wait3A_289 = arith.constant 0 : i32
          %dma_wait3A_290 = tpu.memref_slice %arg2[%mul3A_283, %dma_wait3A_289] : memref<8192x256xf32, #tpu.memory_space<hbm>> -> memref<128x256xf32, #tpu.memory_space<hbm>>
          %dma_wait3A_291 = tpu.memref_slice %run_scoped3A_7[%rem3A_285] : memref<2x!tpu.dma_semaphore, #tpu.memory_space<semaphore_mem>> -> memref<1x!tpu.dma_semaphore, #tpu.memory_space<semaphore_mem>>
          %dma_wait3A_292 = tpu.memref_squeeze %dma_wait3A_291 : memref<1x!tpu.dma_semaphore, #tpu.memory_space<semaphore_mem>> -> memref<!tpu.dma_semaphore, #tpu.memory_space<semaphore_mem>>
          %dma_wait3A_293 = arith.constant 0 : i32
          %dma_wait3A_294 = arith.constant 0 : i32
          %dma_wait3A_295 = tpu.memref_slice %run_scoped3A[%rem3A_285, %dma_wait3A_293, %dma_wait3A_294] : memref<2x128x256xf32, #tpu.memory_space<vmem>> -> memref<1x128x256xf32, #tpu.memory_space<vmem>>
          %dma_wait3A_296 = tpu.memref_squeeze %dma_wait3A_295 : memref<1x128x256xf32, #tpu.memory_space<vmem>> -> memref<128x256xf32, #tpu.memory_space<vmem>>
          %dma_wait3A_297 = arith.constant 0 : i32
          %dma_wait3A_298 = tpu.memref_slice %arg2[%mul3A_283, %dma_wait3A_297] : memref<8192x256xf32, #tpu.memory_space<hbm>> -> memref<128x256xf32, #tpu.memory_space<hbm>>
          tpu.wait_dma2 semaphore(%dma_wait3A_292 : memref<!tpu.dma_semaphore, #tpu.memory_space<semaphore_mem>>) src(%dma_wait3A_298 : memref<128x256xf32, #tpu.memory_space<hbm>>) dst(%dma_wait3A_296 : memref<128x256xf32, #tpu.memory_space<vmem>>)
          "tpu.trace_stop"() : () -> ()
        } else {
        }
        %ne3A_202 = arith.cmpi ne, %add3A_138, %add3A_147 : i32
        %or3A_203 = arith.constant false
        %or3A_204 = arith.ori %or3A_203, %ne3A_202 : i1
        %or3A_205 = arith.ori %or3A_204, %eq3A_135 : i1
        %convert_element_type3A_206 = arith.extui %or3A_205 : i1 to i32
        %cond3A_207 = arith.constant 0 : i32
        %cond3A_208 = arith.cmpi ne, %convert_element_type3A_206, %cond3A_207 : i32
        scf.if %cond3A_208 {
          "tpu.trace_start"() <{level = 10 : i32, message = "ep_wait_in"}> : () -> ()
          %mul3A_282 = arith.constant 128 : i32
          %mul3A_283 = arith.muli %mul3A_282, %add3A_138 : i32
          %rem3A_284 = arith.constant 2 : i32
          %rem3A_285 = arith.remui %scan3A_132, %rem3A_284 : i32
          %dma_wait3A = arith.constant 0 : i32
          %dma_wait3A_286 = arith.constant 0 : i32
          %dma_wait3A_287 = tpu.memref_slice %run_scoped3A_8[%rem3A_285, %dma_wait3A, %dma_wait3A_286] : memref<2x1x128xi32, #tpu.memory_space<vmem>> -> memref<1x1x128xi32, #tpu.memory_space<vmem>>
          %dma_wait3A_288 = tpu.memref_squeeze %dma_wait3A_287 : memref<1x1x128xi32, #tpu.memory_space<vmem>> -> memref<1x128xi32, #tpu.memory_space<vmem>>
          %dma_wait3A_289 = arith.constant 0 : i32
          %dma_wait3A_290 = tpu.memref_slice %arg3[%dma_wait3A_289, %mul3A_283] : memref<1x8192xi32, #tpu.memory_space<hbm>> -> memref<1x128xi32, #tpu.memory_space<hbm>>
          %dma_wait3A_291 = tpu.memref_slice %run_scoped3A_9[%rem3A_285] : memref<2x!tpu.dma_semaphore, #tpu.memory_space<semaphore_mem>> -> memref<1x!tpu.dma_semaphore, #tpu.memory_space<semaphore_mem>>
          %dma_wait3A_292 = tpu.memref_squeeze %dma_wait3A_291 : memref<1x!tpu.dma_semaphore, #tpu.memory_space<semaphore_mem>> -> memref<!tpu.dma_semaphore, #tpu.memory_space<semaphore_mem>>
          %dma_wait3A_293 = arith.constant 0 : i32
          %dma_wait3A_294 = arith.constant 0 : i32
          %dma_wait3A_295 = tpu.memref_slice %run_scoped3A_8[%rem3A_285, %dma_wait3A_293, %dma_wait3A_294] : memref<2x1x128xi32, #tpu.memory_space<vmem>> -> memref<1x1x128xi32, #tpu.memory_space<vmem>>
          %dma_wait3A_296 = tpu.memref_squeeze %dma_wait3A_295 : memref<1x1x128xi32, #tpu.memory_space<vmem>> -> memref<1x128xi32, #tpu.memory_space<vmem>>
          %dma_wait3A_297 = arith.constant 0 : i32
          %dma_wait3A_298 = tpu.memref_slice %arg3[%dma_wait3A_297, %mul3A_283] : memref<1x8192xi32, #tpu.memory_space<hbm>> -> memref<1x128xi32, #tpu.memory_space<hbm>>
          tpu.wait_dma2 semaphore(%dma_wait3A_292 : memref<!tpu.dma_semaphore, #tpu.memory_space<semaphore_mem>>) src(%dma_wait3A_298 : memref<1x128xi32, #tpu.memory_space<hbm>>) dst(%dma_wait3A_296 : memref<1x128xi32, #tpu.memory_space<vmem>>)
          "tpu.trace_stop"() : () -> ()
        } else {
        }
        %rem3A_209 = arith.constant 2 : i32
        %rem3A_210 = arith.remui %scan3A_130, %rem3A_209 : i32
        %rem3A_211 = arith.constant 2 : i32
        %rem3A_212 = arith.remui %scan3A_132, %rem3A_211 : i32
        %run_scoped3A_213 = arith.constant 0 : i32
        "tpu.trace_start"() <{level = 10 : i32, message = "ep_run_kernel"}> : () -> ()
        "tpu.region"() ({
          %run_scoped3A_282 = tpu.sem_alloc : memref<!tpu.dma_semaphore, #tpu.memory_space<semaphore_mem>>
          %dma_start3A_283 = arith.constant 0 : i32
          %dma_start3A_284 = arith.constant 0 : i32
          %dma_start3A_285 = tpu.memref_slice %run_scoped3A[%rem3A_210, %dma_start3A_283, %dma_start3A_284] : memref<2x128x256xf32, #tpu.memory_space<vmem>> -> memref<1x128x256xf32, #tpu.memory_space<vmem>>
          %dma_start3A_286 = tpu.memref_squeeze %dma_start3A_285 : memref<1x128x256xf32, #tpu.memory_space<vmem>> -> memref<128x256xf32, #tpu.memory_space<vmem>>
          %dma_start3A_287 = arith.constant 0 : i32
          %dma_start3A_288 = arith.constant 0 : i32
          %dma_start3A_289 = tpu.memref_slice %run_scoped3A_8[%rem3A_212, %dma_start3A_287, %dma_start3A_288] : memref<2x1x128xi32, #tpu.memory_space<vmem>> -> memref<1x1x128xi32, #tpu.memory_space<vmem>>
          %dma_start3A_290 = tpu.memref_squeeze %dma_start3A_289 : memref<1x1x128xi32, #tpu.memory_space<vmem>> -> memref<1x128xi32, #tpu.memory_space<vmem>>
          %dma_start3A_291 = arith.constant 0 : i32
          %dma_start3A_292 = tpu.memref_slice %dma_start3A_290[%run_scoped3A_213, %dma_start3A_291] : memref<1x128xi32, #tpu.memory_space<vmem>> -> memref<1x128xi32, #tpu.memory_space<vmem>>
          %dma_start3A_293 = tpu.memref_squeeze %dma_start3A_292 : memref<1x128xi32, #tpu.memory_space<vmem>> -> memref<128xi32, #tpu.memory_space<vmem>>
          %dma_start3A_294 = arith.constant 0 : i32
          %dma_start3A_295 = arith.constant 0 : i32
          %dma_start3A_296 = tpu.memref_slice %arg4[%dma_start3A_294, %dma_start3A_295] : memref<12288x256xf32, #tpu.memory_space<hbm>> -> memref<12288x256xf32, #tpu.memory_space<hbm>>
          tpu.enqueue_indirect_dma source(%dma_start3A_286 : memref<128x256xf32, #tpu.memory_space<vmem>>) target(%dma_start3A_296 : memref<12288x256xf32, #tpu.memory_space<hbm>>) offsets(%dma_start3A_293 : memref<128xi32, #tpu.memory_space<vmem>>) semaphore(%run_scoped3A_282 : memref<!tpu.dma_semaphore, #tpu.memory_space<semaphore_mem>>)
          %dma_wait3A = arith.constant 0 : i32
          %dma_wait3A_297 = arith.constant 0 : i32
          %dma_wait3A_298 = tpu.memref_slice %run_scoped3A[%rem3A_210, %dma_wait3A, %dma_wait3A_297] : memref<2x128x256xf32, #tpu.memory_space<vmem>> -> memref<1x128x256xf32, #tpu.memory_space<vmem>>
          %dma_wait3A_299 = tpu.memref_squeeze %dma_wait3A_298 : memref<1x128x256xf32, #tpu.memory_space<vmem>> -> memref<128x256xf32, #tpu.memory_space<vmem>>
          %dma_wait3A_300 = arith.constant 0 : i32
          %dma_wait3A_301 = arith.constant 0 : i32
          %dma_wait3A_302 = tpu.memref_slice %run_scoped3A_8[%rem3A_212, %dma_wait3A_300, %dma_wait3A_301] : memref<2x1x128xi32, #tpu.memory_space<vmem>> -> memref<1x1x128xi32, #tpu.memory_space<vmem>>
          %dma_wait3A_303 = tpu.memref_squeeze %dma_wait3A_302 : memref<1x1x128xi32, #tpu.memory_space<vmem>> -> memref<1x128xi32, #tpu.memory_space<vmem>>
          %dma_wait3A_304 = arith.constant 0 : i32
          %dma_wait3A_305 = tpu.memref_slice %dma_wait3A_303[%run_scoped3A_213, %dma_wait3A_304] : memref<1x128xi32, #tpu.memory_space<vmem>> -> memref<1x128xi32, #tpu.memory_space<vmem>>
          %dma_wait3A_306 = tpu.memref_squeeze %dma_wait3A_305 : memref<1x128xi32, #tpu.memory_space<vmem>> -> memref<128xi32, #tpu.memory_space<vmem>>
          %dma_wait3A_307 = arith.constant 0 : i32
          %dma_wait3A_308 = arith.constant 0 : i32
          %dma_wait3A_309 = tpu.memref_slice %arg4[%dma_wait3A_307, %dma_wait3A_308] : memref<12288x256xf32, #tpu.memory_space<hbm>> -> memref<12288x256xf32, #tpu.memory_space<hbm>>
          tpu.wait_indirect_dma semaphore(%run_scoped3A_282 : memref<!tpu.dma_semaphore, #tpu.memory_space<semaphore_mem>>) src(%dma_wait3A_299 : memref<128x256xf32, #tpu.memory_space<vmem>>) dst(%dma_wait3A_309 : memref<12288x256xf32, #tpu.memory_space<hbm>>)
          tpu.yield
        }) : () -> ()
        "tpu.trace_stop"() : () -> ()
        %ne3A_214 = arith.cmpi ne, %add3A_138, %add3A_156 : i32
        %or3A_215 = arith.constant false
        %or3A_216 = arith.ori %or3A_215, %ne3A_214 : i1
        %or3A_217 = arith.constant false
        %or3A_218 = arith.ori %or3A_216, %or3A_217 : i1
        %or3A_219 = arith.ori %or3A_218, %eq3A_137 : i1
        %convert_element_type3A_220 = arith.extui %or3A_219 : i1 to i32
        %cond3A_221 = arith.constant 0 : i32
        %cond3A_222 = arith.cmpi ne, %convert_element_type3A_220, %cond3A_221 : i32
        scf.if %cond3A_222 {
        } else {
        }
        %and3A_223 = arith.constant false
        %and3A_224 = arith.andi %or3A_219, %and3A_223 : i1
        %ne3A_225 = arith.cmpi ne, %add3A_138, %add3A_156 : i32
        %or3A_226 = arith.constant false
        %or3A_227 = arith.ori %or3A_226, %ne3A_225 : i1
        %or3A_228 = arith.ori %or3A_227, %eq3A_137 : i1
        %convert_element_type3A_229 = arith.extui %or3A_228 : i1 to i32
        %cond3A_230 = arith.constant 0 : i32
        %cond3A_231 = arith.cmpi ne, %convert_element_type3A_229, %cond3A_230 : i32
        scf.if %cond3A_231 {
        } else {
        }
        %and3A_232 = arith.constant false
        %and3A_233 = arith.andi %or3A_228, %and3A_232 : i1
        %ne3A_234 = arith.cmpi ne, %add3A_138, %add3A_147 : i32
        %or3A_235 = arith.constant false
        %or3A_236 = arith.ori %or3A_235, %ne3A_234 : i1
        %or3A_237 = arith.constant false
        %or3A_238 = arith.ori %or3A_236, %or3A_237 : i1
        %not3A_239 = arith.constant true
        %not3A_240 = arith.xori %eq3A_135, %not3A_239 : i1
        %and3A_241 = arith.andi %or3A_238, %not3A_240 : i1
        %convert_element_type3A_242 = arith.extui %and3A_241 : i1 to i32
        %cond3A_243 = arith.constant 0 : i32
        %cond3A_244 = arith.cmpi ne, %convert_element_type3A_242, %cond3A_243 : i32
        scf.if %cond3A_244 {
        } else {
        }
        %and3A_245 = arith.constant false
        %and3A_246 = arith.andi %and3A_241, %and3A_245 : i1
        %ne3A_247 = arith.cmpi ne, %add3A_138, %add3A_147 : i32
        %or3A_248 = arith.constant false
        %or3A_249 = arith.ori %or3A_248, %ne3A_247 : i1
        %not3A_250 = arith.constant true
        %not3A_251 = arith.xori %eq3A_135, %not3A_250 : i1
        %and3A_252 = arith.andi %or3A_249, %not3A_251 : i1
        %convert_element_type3A_253 = arith.extui %and3A_252 : i1 to i32
        %cond3A_254 = arith.constant 0 : i32
        %cond3A_255 = arith.cmpi ne, %convert_element_type3A_253, %cond3A_254 : i32
        scf.if %cond3A_255 {
        } else {
        }
        %and3A_256 = arith.constant false
        %and3A_257 = arith.andi %and3A_252, %and3A_256 : i1
        %ne3A_258 = arith.cmpi ne, %add3A_138, %add3A_156 : i32
        %or3A_259 = arith.constant false
        %or3A_260 = arith.ori %or3A_259, %ne3A_258 : i1
        %or3A_261 = arith.constant false
        %or3A_262 = arith.ori %or3A_260, %or3A_261 : i1
        %or3A_263 = arith.ori %or3A_262, %eq3A_137 : i1
        %add3A_264 = arith.constant 1 : i32
        %add3A_265 = arith.addi %scan3A_130, %add3A_264 : i32
        %select_n3A_266 = arith.select %or3A_263, %add3A_265, %scan3A_130 : i32
        %ne3A_267 = arith.cmpi ne, %add3A_138, %add3A_156 : i32
        %or3A_268 = arith.constant false
        %or3A_269 = arith.ori %or3A_268, %ne3A_267 : i1
        %or3A_270 = arith.ori %or3A_269, %eq3A_137 : i1
        %add3A_271 = arith.constant 1 : i32
        %add3A_272 = arith.addi %scan3A_132, %add3A_271 : i32
        %select_n3A_273 = arith.select %or3A_270, %add3A_272, %scan3A_132 : i32
        %add3A_274 = arith.constant 1 : i32
        %add3A_275 = arith.addi %scan3A_133, %add3A_274 : i32
        %select_n3A_276 = arith.constant true
        %select_n3A_277 = arith.select %select_n3A_276, %add3A_275, %scan3A_133 : i32
        %eq3A_278 = arith.constant 2 : i32
        %eq3A_279 = arith.cmpi eq, %select_n3A_277, %eq3A_278 : i32
        %select_n3A_280 = arith.constant 0 : i32
        %select_n3A_281 = arith.select %eq3A_279, %select_n3A_280, %select_n3A_277 : i32
        scf.yield %select_n3A_176, %select_n3A_266, %select_n3A_192, %select_n3A_273, %select_n3A_281 : i32, i32, i32, i32, i32
      }
      %scan3A_92 = arith.constant 2 : i32
      %sub3A = arith.constant 1 : i32
      %sub3A_93 = arith.subi %scan3A_91#4, %sub3A : i32
      %select_n3A_94 = arith.constant true
      %select_n3A_95 = arith.select %select_n3A_94, %sub3A_93, %scan3A_91#4 : i32
      %eq3A_96 = arith.constant -1 : i32
      %eq3A_97 = arith.cmpi eq, %select_n3A_95, %eq3A_96 : i32
      %select_n3A_98 = arith.constant 1 : i32
      %select_n3A_99 = arith.select %eq3A_97, %select_n3A_98, %select_n3A_95 : i32
      %add3A_100 = arith.addi %select_n3A_99, %mul3A_6 : i32
      %sub3A_101 = arith.constant 1 : i32
      %sub3A_102 = arith.subi %select_n3A_99, %sub3A_101 : i32
      %select_n3A_103 = arith.constant true
      %select_n3A_104 = arith.select %select_n3A_103, %sub3A_102, %select_n3A_99 : i32
      %eq3A_105 = arith.constant -1 : i32
      %eq3A_106 = arith.cmpi eq, %select_n3A_104, %eq3A_105 : i32
      %select_n3A_107 = arith.constant 1 : i32
      %select_n3A_108 = arith.select %eq3A_106, %select_n3A_107, %select_n3A_104 : i32
      %add3A_109 = arith.addi %select_n3A_108, %mul3A_6 : i32
      %add3A_110 = arith.constant 1 : i32
      %add3A_111 = arith.addi %select_n3A_99, %add3A_110 : i32
      %select_n3A_112 = arith.constant true
      %select_n3A_113 = arith.select %select_n3A_112, %add3A_111, %select_n3A_99 : i32
      %eq3A_114 = arith.constant 2 : i32
      %eq3A_115 = arith.cmpi eq, %select_n3A_113, %eq3A_114 : i32
      %select_n3A_116 = arith.constant 0 : i32
      %select_n3A_117 = arith.select %eq3A_115, %select_n3A_116, %select_n3A_113 : i32
      %add3A_118 = arith.addi %select_n3A_117, %mul3A_6 : i32
      %add3A_119 = arith.constant 1 : i32
      %add3A_120 = arith.addi %select_n3A_117, %add3A_119 : i32
      %select_n3A_121 = arith.constant true
      %select_n3A_122 = arith.select %select_n3A_121, %add3A_120, %select_n3A_117 : i32
      %eq3A_123 = arith.constant 2 : i32
      %eq3A_124 = arith.cmpi eq, %select_n3A_122, %eq3A_123 : i32
      %select_n3A_125 = arith.constant 0 : i32
      %select_n3A_126 = arith.select %eq3A_124, %select_n3A_125, %select_n3A_122 : i32
      %add3A_127 = arith.addi %select_n3A_126, %mul3A_6 : i32
      tpu.yield
    }) : () -> ()
    return
  }
}

#map = affine_map<(d0, d1) -> (0, 0)>
module attributes {stable_mosaic.version = 14 : i64} {
  func.func @k(%arg0: i32, %arg1: i32, %arg2: memref<12288x256xf32, #tpu.memory_space<hbm>>, %arg3: memref<1x8192xi32, #tpu.memory_space<hbm>>, %arg4: memref<8192x256xf32, #tpu.memory_space<hbm>>) attributes {dimension_semantics = [#tpu.dimension_semantics<core_parallel>, #tpu.dimension_semantics<subcore_parallel>], iteration_bounds = array<i64: 2, 16>, scalar_prefetch = 0 : i64, scratch_operands = 0 : i64, tpu.core_type = #tpu.core_type<sc_vector_subcore>, window_params = [{transform_indices = #map}, {transform_indices = #map}, {transform_indices = #map}]} {
    %mul3A = arith.constant 1 : i32
    %mul3A_0 = arith.muli %arg1, %mul3A : i32
    %add3A = arith.constant 0 : i32
    %add3A_1 = arith.addi %add3A, %mul3A_0 : i32
    %mul3A_2 = arith.constant 16 : i32
    %mul3A_3 = arith.muli %arg0, %mul3A_2 : i32
    %add3A_4 = arith.addi %add3A_1, %mul3A_3 : i32
    %mul3A_5 = arith.constant 2 : i32
    %mul3A_6 = arith.muli %add3A_4, %mul3A_5 : i32
    "tpu.region"() ({
      %run_scoped3A = memref.alloca() : memref<2x1x128xi32, #tpu.memory_space<vmem>>
      %run_scoped3A_7 = tpu.sem_alloc : memref<2x!tpu.dma_semaphore, #tpu.memory_space<semaphore_mem>>
      %run_scoped3A_8 = memref.alloca() : memref<2x128x256xf32, #tpu.memory_space<vmem>>
      %run_scoped3A_9 = tpu.sem_alloc : memref<2x!tpu.dma_semaphore, #tpu.memory_space<semaphore_mem>>
      %add3A_10 = arith.constant 0 : i32
      %add3A_11 = arith.addi %add3A_10, %mul3A_6 : i32
      %select_n3A = arith.constant true
      %select_n3A_12 = arith.constant 0 : i32
      %select_n3A_13 = arith.constant -1 : i32
      %select_n3A_14 = arith.select %select_n3A, %select_n3A_13, %select_n3A_12 : i32
      %eq3A = arith.constant -1 : i32
      %eq3A_15 = arith.cmpi eq, %select_n3A_14, %eq3A : i32
      %select_n3A_16 = arith.constant 1 : i32
      %select_n3A_17 = arith.select %eq3A_15, %select_n3A_16, %select_n3A_14 : i32
      %add3A_18 = arith.addi %select_n3A_17, %mul3A_6 : i32
      %select_n3A_19 = arith.constant true
      %select_n3A_20 = arith.constant 0 : i32
      %select_n3A_21 = arith.constant 1 : i32
      %select_n3A_22 = arith.select %select_n3A_19, %select_n3A_21, %select_n3A_20 : i32
      %eq3A_23 = arith.constant 2 : i32
      %eq3A_24 = arith.cmpi eq, %select_n3A_22, %eq3A_23 : i32
      %select_n3A_25 = arith.constant 0 : i32
      %select_n3A_26 = arith.select %eq3A_24, %select_n3A_25, %select_n3A_22 : i32
      %add3A_27 = arith.addi %select_n3A_26, %mul3A_6 : i32
      %add3A_28 = arith.constant 1 : i32
      %add3A_29 = arith.addi %select_n3A_26, %add3A_28 : i32
      %select_n3A_30 = arith.constant true
      %select_n3A_31 = arith.select %select_n3A_30, %add3A_29, %select_n3A_26 : i32
      %eq3A_32 = arith.constant 2 : i32
      %eq3A_33 = arith.cmpi eq, %select_n3A_31, %eq3A_32 : i32
      %select_n3A_34 = arith.constant 0 : i32
      %select_n3A_35 = arith.select %eq3A_33, %select_n3A_34, %select_n3A_31 : i32
      %add3A_36 = arith.addi %select_n3A_35, %mul3A_6 : i32
      "tpu.trace_start"() <{level = 10 : i32, message = "ep_initialize_0"}> : () -> ()
      %rem3A = arith.constant 0 : i32
      %rem3A_37 = arith.constant 2 : i32
      %rem3A_38 = arith.remui %rem3A, %rem3A_37 : i32
      %mul3A_39 = arith.constant 128 : i32
      %mul3A_40 = arith.muli %mul3A_39, %add3A_11 : i32
      %dma_start3A = arith.constant 0 : i32
      %dma_start3A_41 = arith.constant 0 : i32
      %dma_start3A_42 = tpu.memref_slice %run_scoped3A[%rem3A_38, %dma_start3A, %dma_start3A_41] : memref<2x1x128xi32, #tpu.memory_space<vmem>> -> memref<1x1x128xi32, #tpu.memory_space<vmem>>
      %dma_start3A_43 = tpu.memref_squeeze %dma_start3A_42 : memref<1x1x128xi32, #tpu.memory_space<vmem>> -> memref<1x128xi32, #tpu.memory_space<vmem>>
      %dma_start3A_44 = arith.constant 0 : i32
      %dma_start3A_45 = tpu.memref_slice %arg3[%dma_start3A_44, %mul3A_40] : memref<1x8192xi32, #tpu.memory_space<hbm>> -> memref<1x128xi32, #tpu.memory_space<hbm>>
      %dma_start3A_46 = tpu.memref_slice %run_scoped3A_7[%rem3A_38] : memref<2x!tpu.dma_semaphore, #tpu.memory_space<semaphore_mem>> -> memref<1x!tpu.dma_semaphore, #tpu.memory_space<semaphore_mem>>
      %dma_start3A_47 = tpu.memref_squeeze %dma_start3A_46 : memref<1x!tpu.dma_semaphore, #tpu.memory_space<semaphore_mem>> -> memref<!tpu.dma_semaphore, #tpu.memory_space<semaphore_mem>>
      %dma_start3A_48 = arith.constant 0 : i32
      %dma_start3A_49 = arith.constant 0 : i32
      %dma_start3A_50 = tpu.memref_slice %run_scoped3A[%rem3A_38, %dma_start3A_48, %dma_start3A_49] : memref<2x1x128xi32, #tpu.memory_space<vmem>> -> memref<1x1x128xi32, #tpu.memory_space<vmem>>
      %dma_start3A_51 = tpu.memref_squeeze %dma_start3A_50 : memref<1x1x128xi32, #tpu.memory_space<vmem>> -> memref<1x128xi32, #tpu.memory_space<vmem>>
      %dma_start3A_52 = arith.constant 0 : i32
      %dma_start3A_53 = tpu.memref_slice %arg3[%dma_start3A_52, %mul3A_40] : memref<1x8192xi32, #tpu.memory_space<hbm>> -> memref<1x128xi32, #tpu.memory_space<hbm>>
      tpu.enqueue_dma source(%dma_start3A_53 : memref<1x128xi32, #tpu.memory_space<hbm>>) target(%dma_start3A_51 : memref<1x128xi32, #tpu.memory_space<vmem>>) target_semaphore(%dma_start3A_47 : memref<!tpu.dma_semaphore, #tpu.memory_space<semaphore_mem>>)
      %add3A_54 = arith.constant 0 : i32
      %add3A_55 = arith.constant 1 : i32
      %add3A_56 = arith.addi %add3A_54, %add3A_55 : i32
      %select_n3A_57 = arith.constant true
      %select_n3A_58 = arith.constant 0 : i32
      %select_n3A_59 = arith.select %select_n3A_57, %add3A_56, %select_n3A_58 : i32
      "tpu.trace_stop"() : () -> ()
      %scan3A = arith.constant 0 : i32
      %scan3A_60 = arith.constant 0 : i32
      %scan3A_61 = arith.constant 0 : i32
      %scan3A_62 = arith.constant 0 : i32
      %scan3A_63 = arith.constant 0 : i32
      %scan3A_64 = arith.constant 2 : i32
      %scan3A_65 = arith.addi %scan3A_63, %scan3A_64 : i32
      %scan3A_66 = arith.constant 1 : i32
      %scan3A_67:5 = scf.for %scan3A_121 = %scan3A_63 to %scan3A_65 step %scan3A_66 iter_args(%scan3A_122 = %select_n3A_59, %scan3A_123 = %scan3A, %scan3A_124 = %scan3A_60, %scan3A_125 = %scan3A_61, %scan3A_126 = %scan3A_62) -> (i32, i32, i32, i32, i32)  : i32 {
        %eq3A_127 = arith.constant 0 : i32
        %eq3A_128 = arith.cmpi eq, %scan3A_121, %eq3A_127 : i32
        %eq3A_129 = arith.constant 1 : i32
        %eq3A_130 = arith.cmpi eq, %scan3A_121, %eq3A_129 : i32
        %add3A_131 = arith.addi %scan3A_126, %mul3A_6 : i32
        %sub3A_132 = arith.constant 1 : i32
        %sub3A_133 = arith.subi %scan3A_126, %sub3A_132 : i32
        %select_n3A_134 = arith.constant true
        %select_n3A_135 = arith.select %select_n3A_134, %sub3A_133, %scan3A_126 : i32
        %eq3A_136 = arith.constant -1 : i32
        %eq3A_137 = arith.cmpi eq, %select_n3A_135, %eq3A_136 : i32
        %select_n3A_138 = arith.constant 1 : i32
        %select_n3A_139 = arith.select %eq3A_137, %select_n3A_138, %select_n3A_135 : i32
        %add3A_140 = arith.addi %select_n3A_139, %mul3A_6 : i32
        %add3A_141 = arith.constant 1 : i32
        %add3A_142 = arith.addi %scan3A_126, %add3A_141 : i32
        %select_n3A_143 = arith.constant true
        %select_n3A_144 = arith.select %select_n3A_143, %add3A_142, %scan3A_126 : i32
        %eq3A_145 = arith.constant 2 : i32
        %eq3A_146 = arith.cmpi eq, %select_n3A_144, %eq3A_145 : i32
        %select_n3A_147 = arith.constant 0 : i32
        %select_n3A_148 = arith.select %eq3A_146, %select_n3A_147, %select_n3A_144 : i32
        %add3A_149 = arith.addi %select_n3A_148, %mul3A_6 : i32
        %add3A_150 = arith.constant 1 : i32
        %add3A_151 = arith.addi %select_n3A_148, %add3A_150 : i32
        %select_n3A_152 = arith.constant true
        %select_n3A_153 = arith.select %select_n3A_152, %add3A_151, %select_n3A_148 : i32
        %eq3A_154 = arith.constant 2 : i32
        %eq3A_155 = arith.cmpi eq, %select_n3A_153, %eq3A_154 : i32
        %select_n3A_156 = arith.constant 0 : i32
        %select_n3A_157 = arith.select %eq3A_155, %select_n3A_156, %select_n3A_153 : i32
        %add3A_158 = arith.addi %select_n3A_157, %mul3A_6 : i32
        %ne3A = arith.cmpi ne, %add3A_131, %add3A_149 : i32
        %or3A = arith.constant false
        %or3A_159 = arith.ori %or3A, %ne3A : i1
        %ge3A = arith.constant 1 : i32
        %ge3A_160 = arith.cmpi sge, %scan3A_121, %ge3A : i32
        %not3A = arith.constant true
        %not3A_161 = arith.xori %ge3A_160, %not3A : i1
        %and3A = arith.andi %or3A_159, %not3A_161 : i1
        %convert_element_type3A = arith.extui %and3A : i1 to i32
        %cond3A = arith.constant 0 : i32
        %cond3A_162 = arith.cmpi ne, %convert_element_type3A, %cond3A : i32
        scf.if %cond3A_162 {
          "tpu.trace_start"() <{level = 10 : i32, message = "ep_copy_in"}> : () -> ()
          %rem3A_264 = arith.constant 2 : i32
          %rem3A_265 = arith.remui %scan3A_122, %rem3A_264 : i32
          %mul3A_266 = arith.constant 128 : i32
          %mul3A_267 = arith.muli %mul3A_266, %add3A_149 : i32
          %dma_start3A_268 = arith.constant 0 : i32
          %dma_start3A_269 = arith.constant 0 : i32
          %dma_start3A_270 = tpu.memref_slice %run_scoped3A[%rem3A_265, %dma_start3A_268, %dma_start3A_269] : memref<2x1x128xi32, #tpu.memory_space<vmem>> -> memref<1x1x128xi32, #tpu.memory_space<vmem>>
          %dma_start3A_271 = tpu.memref_squeeze %dma_start3A_270 : memref<1x1x128xi32, #tpu.memory_space<vmem>> -> memref<1x128xi32, #tpu.memory_space<vmem>>
          %dma_start3A_272 = arith.constant 0 : i32
          %dma_start3A_273 = tpu.memref_slice %arg3[%dma_start3A_272, %mul3A_267] : memref<1x8192xi32, #tpu.memory_space<hbm>> -> memref<1x128xi32, #tpu.memory_space<hbm>>
          %dma_start3A_274 = tpu.memref_slice %run_scoped3A_7[%rem3A_265] : memref<2x!tpu.dma_semaphore, #tpu.memory_space<semaphore_mem>> -> memref<1x!tpu.dma_semaphore, #tpu.memory_space<semaphore_mem>>
          %dma_start3A_275 = tpu.memref_squeeze %dma_start3A_274 : memref<1x!tpu.dma_semaphore, #tpu.memory_space<semaphore_mem>> -> memref<!tpu.dma_semaphore, #tpu.memory_space<semaphore_mem>>
          %dma_start3A_276 = arith.constant 0 : i32
          %dma_start3A_277 = arith.constant 0 : i32
          %dma_start3A_278 = tpu.memref_slice %run_scoped3A[%rem3A_265, %dma_start3A_276, %dma_start3A_277] : memref<2x1x128xi32, #tpu.memory_space<vmem>> -> memref<1x1x128xi32, #tpu.memory_space<vmem>>
          %dma_start3A_279 = tpu.memref_squeeze %dma_start3A_278 : memref<1x1x128xi32, #tpu.memory_space<vmem>> -> memref<1x128xi32, #tpu.memory_space<vmem>>
          %dma_start3A_280 = arith.constant 0 : i32
          %dma_start3A_281 = tpu.memref_slice %arg3[%dma_start3A_280, %mul3A_267] : memref<1x8192xi32, #tpu.memory_space<hbm>> -> memref<1x128xi32, #tpu.memory_space<hbm>>
          tpu.enqueue_dma source(%dma_start3A_281 : memref<1x128xi32, #tpu.memory_space<hbm>>) target(%dma_start3A_279 : memref<1x128xi32, #tpu.memory_space<vmem>>) target_semaphore(%dma_start3A_275 : memref<!tpu.dma_semaphore, #tpu.memory_space<semaphore_mem>>)
          "tpu.trace_stop"() : () -> ()
        } else {
        }
        %and3A_163 = arith.constant true
        %and3A_164 = arith.andi %and3A, %and3A_163 : i1
        %add3A_165 = arith.constant 1 : i32
        %add3A_166 = arith.addi %scan3A_122, %add3A_165 : i32
        %select_n3A_167 = arith.select %and3A_164, %add3A_166, %scan3A_122 : i32
        %ne3A_168 = arith.cmpi ne, %add3A_131, %add3A_149 : i32
        %or3A_169 = arith.constant false
        %or3A_170 = arith.ori %or3A_169, %ne3A_168 : i1
        %or3A_171 = arith.constant false
        %or3A_172 = arith.ori %or3A_170, %or3A_171 : i1
        %ge3A_173 = arith.constant 1 : i32
        %ge3A_174 = arith.cmpi sge, %scan3A_121, %ge3A_173 : i32
        %not3A_175 = arith.constant true
        %not3A_176 = arith.xori %ge3A_174, %not3A_175 : i1
        %and3A_177 = arith.andi %or3A_172, %not3A_176 : i1
        %ne3A_178 = arith.cmpi ne, %add3A_131, %add3A_140 : i32
        %or3A_179 = arith.constant false
        %or3A_180 = arith.ori %or3A_179, %ne3A_178 : i1
        %or3A_181 = arith.ori %or3A_180, %eq3A_128 : i1
        %convert_element_type3A_182 = arith.extui %or3A_181 : i1 to i32
        %cond3A_183 = arith.constant 0 : i32
        %cond3A_184 = arith.cmpi ne, %convert_element_type3A_182, %cond3A_183 : i32
        scf.if %cond3A_184 {
          "tpu.trace_start"() <{level = 10 : i32, message = "ep_wait_in"}> : () -> ()
          %mul3A_264 = arith.constant 128 : i32
          %mul3A_265 = arith.muli %mul3A_264, %add3A_131 : i32
          %rem3A_266 = arith.constant 2 : i32
          %rem3A_267 = arith.remui %scan3A_123, %rem3A_266 : i32
          %dma_wait3A_268 = arith.constant 0 : i32
          %dma_wait3A_269 = arith.constant 0 : i32
          %dma_wait3A_270 = tpu.memref_slice %run_scoped3A[%rem3A_267, %dma_wait3A_268, %dma_wait3A_269] : memref<2x1x128xi32, #tpu.memory_space<vmem>> -> memref<1x1x128xi32, #tpu.memory_space<vmem>>
          %dma_wait3A_271 = tpu.memref_squeeze %dma_wait3A_270 : memref<1x1x128xi32, #tpu.memory_space<vmem>> -> memref<1x128xi32, #tpu.memory_space<vmem>>
          %dma_wait3A_272 = arith.constant 0 : i32
          %dma_wait3A_273 = tpu.memref_slice %arg3[%dma_wait3A_272, %mul3A_265] : memref<1x8192xi32, #tpu.memory_space<hbm>> -> memref<1x128xi32, #tpu.memory_space<hbm>>
          %dma_wait3A_274 = tpu.memref_slice %run_scoped3A_7[%rem3A_267] : memref<2x!tpu.dma_semaphore, #tpu.memory_space<semaphore_mem>> -> memref<1x!tpu.dma_semaphore, #tpu.memory_space<semaphore_mem>>
          %dma_wait3A_275 = tpu.memref_squeeze %dma_wait3A_274 : memref<1x!tpu.dma_semaphore, #tpu.memory_space<semaphore_mem>> -> memref<!tpu.dma_semaphore, #tpu.memory_space<semaphore_mem>>
          %dma_wait3A_276 = arith.constant 0 : i32
          %dma_wait3A_277 = arith.constant 0 : i32
          %dma_wait3A_278 = tpu.memref_slice %run_scoped3A[%rem3A_267, %dma_wait3A_276, %dma_wait3A_277] : memref<2x1x128xi32, #tpu.memory_space<vmem>> -> memref<1x1x128xi32, #tpu.memory_space<vmem>>
          %dma_wait3A_279 = tpu.memref_squeeze %dma_wait3A_278 : memref<1x1x128xi32, #tpu.memory_space<vmem>> -> memref<1x128xi32, #tpu.memory_space<vmem>>
          %dma_wait3A_280 = arith.constant 0 : i32
          %dma_wait3A_281 = tpu.memref_slice %arg3[%dma_wait3A_280, %mul3A_265] : memref<1x8192xi32, #tpu.memory_space<hbm>> -> memref<1x128xi32, #tpu.memory_space<hbm>>
          tpu.wait_dma2 semaphore(%dma_wait3A_275 : memref<!tpu.dma_semaphore, #tpu.memory_space<semaphore_mem>>) src(%dma_wait3A_281 : memref<1x128xi32, #tpu.memory_space<hbm>>) dst(%dma_wait3A_279 : memref<1x128xi32, #tpu.memory_space<vmem>>)
          "tpu.trace_stop"() : () -> ()
        } else {
        }
        %ne3A_185 = arith.cmpi ne, %add3A_131, %add3A_140 : i32
        %or3A_186 = arith.constant false
        %or3A_187 = arith.ori %or3A_186, %ne3A_185 : i1
        %or3A_188 = arith.constant false
        %or3A_189 = arith.ori %or3A_187, %or3A_188 : i1
        %or3A_190 = arith.ori %or3A_189, %eq3A_128 : i1
        %convert_element_type3A_191 = arith.extui %or3A_190 : i1 to i32
        %cond3A_192 = arith.constant 0 : i32
        %cond3A_193 = arith.cmpi ne, %convert_element_type3A_191, %cond3A_192 : i32
        scf.if %cond3A_193 {
        } else {
        }
        %rem3A_194 = arith.constant 2 : i32
        %rem3A_195 = arith.remui %scan3A_123, %rem3A_194 : i32
        %rem3A_196 = arith.constant 2 : i32
        %rem3A_197 = arith.remui %scan3A_124, %rem3A_196 : i32
        %run_scoped3A_198 = arith.constant 0 : i32
        "tpu.trace_start"() <{level = 10 : i32, message = "ep_run_kernel"}> : () -> ()
        "tpu.region"() ({
          %run_scoped3A_264 = tpu.sem_alloc : memref<!tpu.dma_semaphore, #tpu.memory_space<semaphore_mem>>
          %dma_start3A_265 = arith.constant 0 : i32
          %dma_start3A_266 = arith.constant 0 : i32
          %dma_start3A_267 = tpu.memref_slice %run_scoped3A_8[%rem3A_197, %dma_start3A_265, %dma_start3A_266] : memref<2x128x256xf32, #tpu.memory_space<vmem>> -> memref<1x128x256xf32, #tpu.memory_space<vmem>>
          %dma_start3A_268 = tpu.memref_squeeze %dma_start3A_267 : memref<1x128x256xf32, #tpu.memory_space<vmem>> -> memref<128x256xf32, #tpu.memory_space<vmem>>
          %dma_start3A_269 = arith.constant 0 : i32
          %dma_start3A_270 = arith.constant 0 : i32
          %dma_start3A_271 = tpu.memref_slice %run_scoped3A[%rem3A_195, %dma_start3A_269, %dma_start3A_270] : memref<2x1x128xi32, #tpu.memory_space<vmem>> -> memref<1x1x128xi32, #tpu.memory_space<vmem>>
          %dma_start3A_272 = tpu.memref_squeeze %dma_start3A_271 : memref<1x1x128xi32, #tpu.memory_space<vmem>> -> memref<1x128xi32, #tpu.memory_space<vmem>>
          %dma_start3A_273 = arith.constant 0 : i32
          %dma_start3A_274 = tpu.memref_slice %dma_start3A_272[%run_scoped3A_198, %dma_start3A_273] : memref<1x128xi32, #tpu.memory_space<vmem>> -> memref<1x128xi32, #tpu.memory_space<vmem>>
          %dma_start3A_275 = tpu.memref_squeeze %dma_start3A_274 : memref<1x128xi32, #tpu.memory_space<vmem>> -> memref<128xi32, #tpu.memory_space<vmem>>
          %dma_start3A_276 = arith.constant 0 : i32
          %dma_start3A_277 = arith.constant 0 : i32
          %dma_start3A_278 = tpu.memref_slice %arg2[%dma_start3A_276, %dma_start3A_277] : memref<12288x256xf32, #tpu.memory_space<hbm>> -> memref<12288x256xf32, #tpu.memory_space<hbm>>
          tpu.enqueue_indirect_dma source(%dma_start3A_278 : memref<12288x256xf32, #tpu.memory_space<hbm>>) target(%dma_start3A_268 : memref<128x256xf32, #tpu.memory_space<vmem>>) offsets(%dma_start3A_275 : memref<128xi32, #tpu.memory_space<vmem>>) semaphore(%run_scoped3A_264 : memref<!tpu.dma_semaphore, #tpu.memory_space<semaphore_mem>>)
          %dma_wait3A_279 = arith.constant 0 : i32
          %dma_wait3A_280 = arith.constant 0 : i32
          %dma_wait3A_281 = tpu.memref_slice %run_scoped3A_8[%rem3A_197, %dma_wait3A_279, %dma_wait3A_280] : memref<2x128x256xf32, #tpu.memory_space<vmem>> -> memref<1x128x256xf32, #tpu.memory_space<vmem>>
          %dma_wait3A_282 = tpu.memref_squeeze %dma_wait3A_281 : memref<1x128x256xf32, #tpu.memory_space<vmem>> -> memref<128x256xf32, #tpu.memory_space<vmem>>
          %dma_wait3A_283 = arith.constant 0 : i32
          %dma_wait3A_284 = arith.constant 0 : i32
          %dma_wait3A_285 = tpu.memref_slice %run_scoped3A[%rem3A_195, %dma_wait3A_283, %dma_wait3A_284] : memref<2x1x128xi32, #tpu.memory_space<vmem>> -> memref<1x1x128xi32, #tpu.memory_space<vmem>>
          %dma_wait3A_286 = tpu.memref_squeeze %dma_wait3A_285 : memref<1x1x128xi32, #tpu.memory_space<vmem>> -> memref<1x128xi32, #tpu.memory_space<vmem>>
          %dma_wait3A_287 = arith.constant 0 : i32
          %dma_wait3A_288 = tpu.memref_slice %dma_wait3A_286[%run_scoped3A_198, %dma_wait3A_287] : memref<1x128xi32, #tpu.memory_space<vmem>> -> memref<1x128xi32, #tpu.memory_space<vmem>>
          %dma_wait3A_289 = tpu.memref_squeeze %dma_wait3A_288 : memref<1x128xi32, #tpu.memory_space<vmem>> -> memref<128xi32, #tpu.memory_space<vmem>>
          %dma_wait3A_290 = arith.constant 0 : i32
          %dma_wait3A_291 = arith.constant 0 : i32
          %dma_wait3A_292 = tpu.memref_slice %arg2[%dma_wait3A_290, %dma_wait3A_291] : memref<12288x256xf32, #tpu.memory_space<hbm>> -> memref<12288x256xf32, #tpu.memory_space<hbm>>
          tpu.wait_indirect_dma semaphore(%run_scoped3A_264 : memref<!tpu.dma_semaphore, #tpu.memory_space<semaphore_mem>>) src(%dma_wait3A_292 : memref<12288x256xf32, #tpu.memory_space<hbm>>) dst(%dma_wait3A_282 : memref<128x256xf32, #tpu.memory_space<vmem>>)
          tpu.yield
        }) : () -> ()
        "tpu.trace_stop"() : () -> ()
        %ne3A_199 = arith.cmpi ne, %add3A_131, %add3A_149 : i32
        %or3A_200 = arith.constant false
        %or3A_201 = arith.ori %or3A_200, %ne3A_199 : i1
        %or3A_202 = arith.ori %or3A_201, %eq3A_130 : i1
        %convert_element_type3A_203 = arith.extui %or3A_202 : i1 to i32
        %cond3A_204 = arith.constant 0 : i32
        %cond3A_205 = arith.cmpi ne, %convert_element_type3A_203, %cond3A_204 : i32
        scf.if %cond3A_205 {
        } else {
        }
        %and3A_206 = arith.constant false
        %and3A_207 = arith.andi %or3A_202, %and3A_206 : i1
        %ne3A_208 = arith.cmpi ne, %add3A_131, %add3A_149 : i32
        %or3A_209 = arith.constant false
        %or3A_210 = arith.ori %or3A_209, %ne3A_208 : i1
        %or3A_211 = arith.constant false
        %or3A_212 = arith.ori %or3A_210, %or3A_211 : i1
        %or3A_213 = arith.ori %or3A_212, %eq3A_130 : i1
        %convert_element_type3A_214 = arith.extui %or3A_213 : i1 to i32
        %cond3A_215 = arith.constant 0 : i32
        %cond3A_216 = arith.cmpi ne, %convert_element_type3A_214, %cond3A_215 : i32
        scf.if %cond3A_216 {
          "tpu.trace_start"() <{level = 10 : i32, message = "ep_copy_out"}> : () -> ()
          %rem3A_264 = arith.constant 2 : i32
          %rem3A_265 = arith.remui %scan3A_124, %rem3A_264 : i32
          %mul3A_266 = arith.constant 128 : i32
          %mul3A_267 = arith.muli %mul3A_266, %add3A_131 : i32
          %dma_start3A_268 = arith.constant 0 : i32
          %dma_start3A_269 = arith.constant 0 : i32
          %dma_start3A_270 = tpu.memref_slice %run_scoped3A_8[%rem3A_265, %dma_start3A_268, %dma_start3A_269] : memref<2x128x256xf32, #tpu.memory_space<vmem>> -> memref<1x128x256xf32, #tpu.memory_space<vmem>>
          %dma_start3A_271 = tpu.memref_squeeze %dma_start3A_270 : memref<1x128x256xf32, #tpu.memory_space<vmem>> -> memref<128x256xf32, #tpu.memory_space<vmem>>
          %dma_start3A_272 = arith.constant 0 : i32
          %dma_start3A_273 = tpu.memref_slice %arg4[%mul3A_267, %dma_start3A_272] : memref<8192x256xf32, #tpu.memory_space<hbm>> -> memref<128x256xf32, #tpu.memory_space<hbm>>
          %dma_start3A_274 = tpu.memref_slice %run_scoped3A_9[%rem3A_265] : memref<2x!tpu.dma_semaphore, #tpu.memory_space<semaphore_mem>> -> memref<1x!tpu.dma_semaphore, #tpu.memory_space<semaphore_mem>>
          %dma_start3A_275 = tpu.memref_squeeze %dma_start3A_274 : memref<1x!tpu.dma_semaphore, #tpu.memory_space<semaphore_mem>> -> memref<!tpu.dma_semaphore, #tpu.memory_space<semaphore_mem>>
          %dma_start3A_276 = arith.constant 0 : i32
          %dma_start3A_277 = tpu.memref_slice %arg4[%mul3A_267, %dma_start3A_276] : memref<8192x256xf32, #tpu.memory_space<hbm>> -> memref<128x256xf32, #tpu.memory_space<hbm>>
          %dma_start3A_278 = arith.constant 0 : i32
          %dma_start3A_279 = arith.constant 0 : i32
          %dma_start3A_280 = tpu.memref_slice %run_scoped3A_8[%rem3A_265, %dma_start3A_278, %dma_start3A_279] : memref<2x128x256xf32, #tpu.memory_space<vmem>> -> memref<1x128x256xf32, #tpu.memory_space<vmem>>
          %dma_start3A_281 = tpu.memref_squeeze %dma_start3A_280 : memref<1x128x256xf32, #tpu.memory_space<vmem>> -> memref<128x256xf32, #tpu.memory_space<vmem>>
          tpu.enqueue_dma source(%dma_start3A_281 : memref<128x256xf32, #tpu.memory_space<vmem>>) target(%dma_start3A_277 : memref<128x256xf32, #tpu.memory_space<hbm>>) target_semaphore(%dma_start3A_275 : memref<!tpu.dma_semaphore, #tpu.memory_space<semaphore_mem>>)
          "tpu.trace_stop"() : () -> ()
        } else {
        }
        %and3A_217 = arith.constant true
        %and3A_218 = arith.andi %or3A_213, %and3A_217 : i1
        %add3A_219 = arith.constant 1 : i32
        %add3A_220 = arith.addi %scan3A_124, %add3A_219 : i32
        %select_n3A_221 = arith.select %and3A_218, %add3A_220, %scan3A_124 : i32
        %ne3A_222 = arith.cmpi ne, %add3A_131, %add3A_140 : i32
        %or3A_223 = arith.constant false
        %or3A_224 = arith.ori %or3A_223, %ne3A_222 : i1
        %not3A_225 = arith.constant true
        %not3A_226 = arith.xori %eq3A_128, %not3A_225 : i1
        %and3A_227 = arith.andi %or3A_224, %not3A_226 : i1
        %convert_element_type3A_228 = arith.extui %and3A_227 : i1 to i32
        %cond3A_229 = arith.constant 0 : i32
        %cond3A_230 = arith.cmpi ne, %convert_element_type3A_228, %cond3A_229 : i32
        scf.if %cond3A_230 {
        } else {
        }
        %and3A_231 = arith.constant false
        %and3A_232 = arith.andi %and3A_227, %and3A_231 : i1
        %ne3A_233 = arith.cmpi ne, %add3A_131, %add3A_140 : i32
        %or3A_234 = arith.constant false
        %or3A_235 = arith.ori %or3A_234, %ne3A_233 : i1
        %or3A_236 = arith.constant false
        %or3A_237 = arith.ori %or3A_235, %or3A_236 : i1
        %not3A_238 = arith.constant true
        %not3A_239 = arith.xori %eq3A_128, %not3A_238 : i1
        %and3A_240 = arith.andi %or3A_237, %not3A_239 : i1
        %convert_element_type3A_241 = arith.extui %and3A_240 : i1 to i32
        %cond3A_242 = arith.constant 0 : i32
        %cond3A_243 = arith.cmpi ne, %convert_element_type3A_241, %cond3A_242 : i32
        scf.if %cond3A_243 {
          "tpu.trace_start"() <{level = 10 : i32, message = "ep_wait_out"}> : () -> ()
          %rem3A_264 = arith.constant 2 : i32
          %rem3A_265 = arith.remui %scan3A_125, %rem3A_264 : i32
          %mul3A_266 = arith.constant 128 : i32
          %mul3A_267 = arith.muli %mul3A_266, %add3A_140 : i32
          %dma_wait3A_268 = arith.constant 0 : i32
          %dma_wait3A_269 = arith.constant 0 : i32
          %dma_wait3A_270 = tpu.memref_slice %run_scoped3A_8[%rem3A_265, %dma_wait3A_268, %dma_wait3A_269] : memref<2x128x256xf32, #tpu.memory_space<vmem>> -> memref<1x128x256xf32, #tpu.memory_space<vmem>>
          %dma_wait3A_271 = tpu.memref_squeeze %dma_wait3A_270 : memref<1x128x256xf32, #tpu.memory_space<vmem>> -> memref<128x256xf32, #tpu.memory_space<vmem>>
          %dma_wait3A_272 = arith.constant 0 : i32
          %dma_wait3A_273 = tpu.memref_slice %arg4[%mul3A_267, %dma_wait3A_272] : memref<8192x256xf32, #tpu.memory_space<hbm>> -> memref<128x256xf32, #tpu.memory_space<hbm>>
          %dma_wait3A_274 = tpu.memref_slice %run_scoped3A_9[%rem3A_265] : memref<2x!tpu.dma_semaphore, #tpu.memory_space<semaphore_mem>> -> memref<1x!tpu.dma_semaphore, #tpu.memory_space<semaphore_mem>>
          %dma_wait3A_275 = tpu.memref_squeeze %dma_wait3A_274 : memref<1x!tpu.dma_semaphore, #tpu.memory_space<semaphore_mem>> -> memref<!tpu.dma_semaphore, #tpu.memory_space<semaphore_mem>>
          %dma_wait3A_276 = arith.constant 0 : i32
          %dma_wait3A_277 = tpu.memref_slice %arg4[%mul3A_267, %dma_wait3A_276] : memref<8192x256xf32, #tpu.memory_space<hbm>> -> memref<128x256xf32, #tpu.memory_space<hbm>>
          %dma_wait3A_278 = arith.constant 0 : i32
          %dma_wait3A_279 = arith.constant 0 : i32
          %dma_wait3A_280 = tpu.memref_slice %run_scoped3A_8[%rem3A_265, %dma_wait3A_278, %dma_wait3A_279] : memref<2x128x256xf32, #tpu.memory_space<vmem>> -> memref<1x128x256xf32, #tpu.memory_space<vmem>>
          %dma_wait3A_281 = tpu.memref_squeeze %dma_wait3A_280 : memref<1x128x256xf32, #tpu.memory_space<vmem>> -> memref<128x256xf32, #tpu.memory_space<vmem>>
          tpu.wait_dma2 semaphore(%dma_wait3A_275 : memref<!tpu.dma_semaphore, #tpu.memory_space<semaphore_mem>>) src(%dma_wait3A_281 : memref<128x256xf32, #tpu.memory_space<vmem>>) dst(%dma_wait3A_277 : memref<128x256xf32, #tpu.memory_space<hbm>>)
          "tpu.trace_stop"() : () -> ()
        } else {
        }
        %and3A_244 = arith.constant true
        %and3A_245 = arith.andi %and3A_240, %and3A_244 : i1
        %add3A_246 = arith.constant 1 : i32
        %add3A_247 = arith.addi %scan3A_125, %add3A_246 : i32
        %select_n3A_248 = arith.select %and3A_245, %add3A_247, %scan3A_125 : i32
        %ne3A_249 = arith.cmpi ne, %add3A_131, %add3A_149 : i32
        %or3A_250 = arith.constant false
        %or3A_251 = arith.ori %or3A_250, %ne3A_249 : i1
        %or3A_252 = arith.ori %or3A_251, %eq3A_130 : i1
        %add3A_253 = arith.constant 1 : i32
        %add3A_254 = arith.addi %scan3A_123, %add3A_253 : i32
        %select_n3A_255 = arith.select %or3A_252, %add3A_254, %scan3A_123 : i32
        %add3A_256 = arith.constant 1 : i32
        %add3A_257 = arith.addi %scan3A_126, %add3A_256 : i32
        %select_n3A_258 = arith.constant true
        %select_n3A_259 = arith.select %select_n3A_258, %add3A_257, %scan3A_126 : i32
        %eq3A_260 = arith.constant 2 : i32
        %eq3A_261 = arith.cmpi eq, %select_n3A_259, %eq3A_260 : i32
        %select_n3A_262 = arith.constant 0 : i32
        %select_n3A_263 = arith.select %eq3A_261, %select_n3A_262, %select_n3A_259 : i32
        scf.yield %select_n3A_167, %select_n3A_255, %select_n3A_221, %select_n3A_248, %select_n3A_263 : i32, i32, i32, i32, i32
      }
      %scan3A_68 = arith.constant 2 : i32
      %sub3A = arith.constant 1 : i32
      %sub3A_69 = arith.subi %scan3A_67#4, %sub3A : i32
      %select_n3A_70 = arith.constant true
      %select_n3A_71 = arith.select %select_n3A_70, %sub3A_69, %scan3A_67#4 : i32
      %eq3A_72 = arith.constant -1 : i32
      %eq3A_73 = arith.cmpi eq, %select_n3A_71, %eq3A_72 : i32
      %select_n3A_74 = arith.constant 1 : i32
      %select_n3A_75 = arith.select %eq3A_73, %select_n3A_74, %select_n3A_71 : i32
      %add3A_76 = arith.addi %select_n3A_75, %mul3A_6 : i32
      %sub3A_77 = arith.constant 1 : i32
      %sub3A_78 = arith.subi %select_n3A_75, %sub3A_77 : i32
      %select_n3A_79 = arith.constant true
      %select_n3A_80 = arith.select %select_n3A_79, %sub3A_78, %select_n3A_75 : i32
      %eq3A_81 = arith.constant -1 : i32
      %eq3A_82 = arith.cmpi eq, %select_n3A_80, %eq3A_81 : i32
      %select_n3A_83 = arith.constant 1 : i32
      %select_n3A_84 = arith.select %eq3A_82, %select_n3A_83, %select_n3A_80 : i32
      %add3A_85 = arith.addi %select_n3A_84, %mul3A_6 : i32
      %add3A_86 = arith.constant 1 : i32
      %add3A_87 = arith.addi %select_n3A_75, %add3A_86 : i32
      %select_n3A_88 = arith.constant true
      %select_n3A_89 = arith.select %select_n3A_88, %add3A_87, %select_n3A_75 : i32
      %eq3A_90 = arith.constant 2 : i32
      %eq3A_91 = arith.cmpi eq, %select_n3A_89, %eq3A_90 : i32
      %select_n3A_92 = arith.constant 0 : i32
      %select_n3A_93 = arith.select %eq3A_91, %select_n3A_92, %select_n3A_89 : i32
      %add3A_94 = arith.addi %select_n3A_93, %mul3A_6 : i32
      %add3A_95 = arith.constant 1 : i32
      %add3A_96 = arith.addi %select_n3A_93, %add3A_95 : i32
      %select_n3A_97 = arith.constant true
      %select_n3A_98 = arith.select %select_n3A_97, %add3A_96, %select_n3A_93 : i32
      %eq3A_99 = arith.constant 2 : i32
      %eq3A_100 = arith.cmpi eq, %select_n3A_98, %eq3A_99 : i32
      %select_n3A_101 = arith.constant 0 : i32
      %select_n3A_102 = arith.select %eq3A_100, %select_n3A_101, %select_n3A_98 : i32
      %add3A_103 = arith.addi %select_n3A_102, %mul3A_6 : i32
      "tpu.trace_start"() <{level = 10 : i32, message = "ep_finalize"}> : () -> ()
      %rem3A_104 = arith.constant 2 : i32
      %rem3A_105 = arith.remui %scan3A_67#3, %rem3A_104 : i32
      %mul3A_106 = arith.constant 128 : i32
      %mul3A_107 = arith.muli %mul3A_106, %add3A_76 : i32
      %dma_wait3A = arith.constant 0 : i32
      %dma_wait3A_108 = arith.constant 0 : i32
      %dma_wait3A_109 = tpu.memref_slice %run_scoped3A_8[%rem3A_105, %dma_wait3A, %dma_wait3A_108] : memref<2x128x256xf32, #tpu.memory_space<vmem>> -> memref<1x128x256xf32, #tpu.memory_space<vmem>>
      %dma_wait3A_110 = tpu.memref_squeeze %dma_wait3A_109 : memref<1x128x256xf32, #tpu.memory_space<vmem>> -> memref<128x256xf32, #tpu.memory_space<vmem>>
      %dma_wait3A_111 = arith.constant 0 : i32
      %dma_wait3A_112 = tpu.memref_slice %arg4[%mul3A_107, %dma_wait3A_111] : memref<8192x256xf32, #tpu.memory_space<hbm>> -> memref<128x256xf32, #tpu.memory_space<hbm>>
      %dma_wait3A_113 = tpu.memref_slice %run_scoped3A_9[%rem3A_105] : memref<2x!tpu.dma_semaphore, #tpu.memory_space<semaphore_mem>> -> memref<1x!tpu.dma_semaphore, #tpu.memory_space<semaphore_mem>>
      %dma_wait3A_114 = tpu.memref_squeeze %dma_wait3A_113 : memref<1x!tpu.dma_semaphore, #tpu.memory_space<semaphore_mem>> -> memref<!tpu.dma_semaphore, #tpu.memory_space<semaphore_mem>>
      %dma_wait3A_115 = arith.constant 0 : i32
      %dma_wait3A_116 = tpu.memref_slice %arg4[%mul3A_107, %dma_wait3A_115] : memref<8192x256xf32, #tpu.memory_space<hbm>> -> memref<128x256xf32, #tpu.memory_space<hbm>>
      %dma_wait3A_117 = arith.constant 0 : i32
      %dma_wait3A_118 = arith.constant 0 : i32
      %dma_wait3A_119 = tpu.memref_slice %run_scoped3A_8[%rem3A_105, %dma_wait3A_117, %dma_wait3A_118] : memref<2x128x256xf32, #tpu.memory_space<vmem>> -> memref<1x128x256xf32, #tpu.memory_space<vmem>>
      %dma_wait3A_120 = tpu.memref_squeeze %dma_wait3A_119 : memref<1x128x256xf32, #tpu.memory_space<vmem>> -> memref<128x256xf32, #tpu.memory_space<vmem>>
      tpu.wait_dma2 semaphore(%dma_wait3A_114 : memref<!tpu.dma_semaphore, #tpu.memory_space<semaphore_mem>>) src(%dma_wait3A_120 : memref<128x256xf32, #tpu.memory_space<vmem>>) dst(%dma_wait3A_116 : memref<128x256xf32, #tpu.memory_space<hbm>>)
      "tpu.trace_stop"() : () -> ()
      tpu.yield
    }) : () -> ()
    return
  }
}

module attributes {stable_mosaic.version = 14 : i64} {
  func.func @_route_body(%arg0: memref<2048x1024xf32, #tpu.memory_space<vmem>>, %arg1: memref<1024x8xf32, #tpu.memory_space<vmem>>, %arg2: memref<2048x8xf32, #tpu.memory_space<vmem>>, %arg3: memref<2048x4xi32, #tpu.memory_space<vmem>>, %arg4: memref<24x1xi32, #tpu.memory_space<vmem>>, %arg5: memref<1x1xi32, #tpu.memory_space<vmem>>, %arg6: memref<2048x1024xbf16, #tpu.memory_space<vmem>>) attributes {dimension_semantics = [], scalar_prefetch = 0 : i64, scratch_operands = 0 : i64, tpu.core_type = #tpu.core_type<tc>} {
    %get3A = arith.constant 0 : index
    %get3A_0 = arith.constant 0 : index
    %get3A_1 = vector.load %arg0[%get3A, %get3A_0] : memref<2048x1024xf32, #tpu.memory_space<vmem>>, vector<2048x1024xf32>
    %convert_element_type3A = arith.truncf %get3A_1 : vector<2048x1024xf32> to vector<2048x1024xbf16>
    %swap3A = arith.constant 0 : index
    %swap3A_2 = arith.constant 0 : index
    %swap3A_3 = vector.load %arg6[%swap3A, %swap3A_2] : memref<2048x1024xbf16, #tpu.memory_space<vmem>>, vector<2048x1024xbf16>
    tpu.vector_store %arg6[%swap3A, %swap3A_2], %convert_element_type3A {strides = array<i32>} : memref<2048x1024xbf16, #tpu.memory_space<vmem>>, vector<2048x1024xbf16>,
    %get3A_4 = arith.constant 0 : index
    %get3A_5 = arith.constant 0 : index
    %get3A_6 = vector.load %arg1[%get3A_4, %get3A_5] : memref<1024x8xf32, #tpu.memory_space<vmem>>, vector<1024x8xf32>
    %dot_general3A = arith.constant dense<0.000000e+00> : vector<2048x8xf32>
    %dot_general3A_7 = tpu.matmul %get3A_1, %get3A_6, %dot_general3A {dimension_numbers = #tpu.dot_dimension_numbers<[1], [0], [0], [1], [0, 0, 1, 1], [], []>, transpose_lhs_hint = false} : vector<2048x1024xf32>, vector<1024x8xf32>, vector<2048x8xf32> -> vector<2048x8xf32>
    %reduce_max3A = arith.constant dense<0xFF800000> : vector<2048xf32>
    %reduce_max3A_8 = vector.multi_reduction <maximumf>, %dot_general3A_7, %reduce_max3A [1] : vector<2048x8xf32> to vector<2048xf32>
    %broadcast_in_dim3A = vector.shape_cast %reduce_max3A_8 : vector<2048xf32> to vector<2048x1xf32>
    %iota3A = tpu.iota {dimensions = array<i32: 1>} : vector<2048x8xi32>
    %eq3A = vector.broadcast %broadcast_in_dim3A : vector<2048x1xf32> to vector<2048x8xf32>
    %eq3A_9 = arith.cmpf oeq, %dot_general3A_7, %eq3A : vector<2048x8xf32>
    %jit3A = arith.constant 8 : i32
    %broadcast_in_dim3A_10 = vector.broadcast %jit3A : i32 to vector<2048x8xi32>
    %select_n3A = arith.select %eq3A_9, %iota3A, %broadcast_in_dim3A_10 : vector<2048x8xi1>, vector<2048x8xi32>
    %reduce_min3A = arith.constant dense<2147483647> : vector<2048xi32>
    %reduce_min3A_11 = vector.multi_reduction <minsi>, %select_n3A, %reduce_min3A [1] : vector<2048x8xi32> to vector<2048xi32>
    %broadcast_in_dim3A_12 = vector.shape_cast %reduce_min3A_11 : vector<2048xi32> to vector<2048x1xi32>
    %eq3A_13 = vector.broadcast %broadcast_in_dim3A_12 : vector<2048x1xi32> to vector<2048x8xi32>
    %eq3A_14 = arith.cmpi eq, %iota3A, %eq3A_13 : vector<2048x8xi32>
    %logistic3A = arith.negf %dot_general3A_7 : vector<2048x8xf32>
    %logistic3A_15 = math.exp %logistic3A : vector<2048x8xf32>
    %logistic3A_16 = arith.constant 1.000000e+00 : f32
    %logistic3A_17 = vector.broadcast %logistic3A_16 : f32 to vector<2048x8xf32>
    %logistic3A_18 = arith.addf %logistic3A_17, %logistic3A_15 : vector<2048x8xf32>
    %logistic3A_19 = arith.divf %logistic3A_17, %logistic3A_18 : vector<2048x8xf32>
    %jit3A_20 = arith.constant 0.000000e+00 : f32
    %broadcast_in_dim3A_21 = vector.broadcast %jit3A_20 : f32 to vector<2048x8xf32>
    %select_n3A_22 = arith.select %eq3A_14, %logistic3A_19, %broadcast_in_dim3A_21 : vector<2048x8xi1>, vector<2048x8xf32>
    %swap3A_23 = arith.constant 0 : index
    %swap3A_24 = arith.constant 0 : index
    %swap3A_25 = vector.load %arg2[%swap3A_23, %swap3A_24] : memref<2048x8xf32, #tpu.memory_space<vmem>>, vector<2048x8xf32>
    tpu.vector_store %arg2[%swap3A_23, %swap3A_24], %select_n3A_22 {strides = array<i32>} : memref<2048x8xf32, #tpu.memory_space<vmem>>, vector<2048x8xf32>,
    %convert_element_type3A_26 = arith.extui %eq3A_14 : vector<2048x8xi1> to vector<2048x8xi32>
    %jit3A_27 = arith.constant 0 : i32
    %pad3A = vector.broadcast %jit3A_27 : i32 to vector<1x8xi32>
    %pad3A_28 = tpu.concatenate %pad3A, %convert_element_type3A_26 in 0 : vector<1x8xi32>, vector<2048x8xi32> -> vector<2049x8xi32>
    %slice3A = vector.extract_strided_slice %pad3A_28 {offsets = [0, 0], sizes = [2048, 8], strides = [1, 1]} : vector<2049x8xi32> to vector<2048x8xi32>
    %add3A = arith.addi %convert_element_type3A_26, %slice3A : vector<2048x8xi32>
    %jit3A_29 = arith.constant 0 : i32
    %pad3A_30 = vector.broadcast %jit3A_29 : i32 to vector<2x8xi32>
    %pad3A_31 = tpu.concatenate %pad3A_30, %add3A in 0 : vector<2x8xi32>, vector<2048x8xi32> -> vector<2050x8xi32>
    %slice3A_32 = vector.extract_strided_slice %pad3A_31 {offsets = [0, 0], sizes = [2048, 8], strides = [1, 1]} : vector<2050x8xi32> to vector<2048x8xi32>
    %add3A_33 = arith.addi %add3A, %slice3A_32 : vector<2048x8xi32>
    %jit3A_34 = arith.constant 0 : i32
    %pad3A_35 = vector.broadcast %jit3A_34 : i32 to vector<4x8xi32>
    %pad3A_36 = tpu.concatenate %pad3A_35, %add3A_33 in 0 : vector<4x8xi32>, vector<2048x8xi32> -> vector<2052x8xi32>
    %slice3A_37 = vector.extract_strided_slice %pad3A_36 {offsets = [0, 0], sizes = [2048, 8], strides = [1, 1]} : vector<2052x8xi32> to vector<2048x8xi32>
    %add3A_38 = arith.addi %add3A_33, %slice3A_37 : vector<2048x8xi32>
    %jit3A_39 = arith.constant 0 : i32
    %pad3A_40 = vector.broadcast %jit3A_39 : i32 to vector<8x8xi32>
    %pad3A_41 = tpu.concatenate %pad3A_40, %add3A_38 in 0 : vector<8x8xi32>, vector<2048x8xi32> -> vector<2056x8xi32>
    %slice3A_42 = vector.extract_strided_slice %pad3A_41 {offsets = [0, 0], sizes = [2048, 8], strides = [1, 1]} : vector<2056x8xi32> to vector<2048x8xi32>
    %add3A_43 = arith.addi %add3A_38, %slice3A_42 : vector<2048x8xi32>
    %jit3A_44 = arith.constant 0 : i32
    %pad3A_45 = vector.broadcast %jit3A_44 : i32 to vector<16x8xi32>
    %pad3A_46 = tpu.concatenate %pad3A_45, %add3A_43 in 0 : vector<16x8xi32>, vector<2048x8xi32> -> vector<2064x8xi32>
    %slice3A_47 = vector.extract_strided_slice %pad3A_46 {offsets = [0, 0], sizes = [2048, 8], strides = [1, 1]} : vector<2064x8xi32> to vector<2048x8xi32>
    %add3A_48 = arith.addi %add3A_43, %slice3A_47 : vector<2048x8xi32>
    %jit3A_49 = arith.constant 0 : i32
    %pad3A_50 = vector.broadcast %jit3A_49 : i32 to vector<32x8xi32>
    %pad3A_51 = tpu.concatenate %pad3A_50, %add3A_48 in 0 : vector<32x8xi32>, vector<2048x8xi32> -> vector<2080x8xi32>
    %slice3A_52 = vector.extract_strided_slice %pad3A_51 {offsets = [0, 0], sizes = [2048, 8], strides = [1, 1]} : vector<2080x8xi32> to vector<2048x8xi32>
    %add3A_53 = arith.addi %add3A_48, %slice3A_52 : vector<2048x8xi32>
    %jit3A_54 = arith.constant 0 : i32
    %pad3A_55 = vector.broadcast %jit3A_54 : i32 to vector<64x8xi32>
    %pad3A_56 = tpu.concatenate %pad3A_55, %add3A_53 in 0 : vector<64x8xi32>, vector<2048x8xi32> -> vector<2112x8xi32>
    %slice3A_57 = vector.extract_strided_slice %pad3A_56 {offsets = [0, 0], sizes = [2048, 8], strides = [1, 1]} : vector<2112x8xi32> to vector<2048x8xi32>
    %add3A_58 = arith.addi %add3A_53, %slice3A_57 : vector<2048x8xi32>
    %jit3A_59 = arith.constant 0 : i32
    %pad3A_60 = vector.broadcast %jit3A_59 : i32 to vector<128x8xi32>
    %pad3A_61 = tpu.concatenate %pad3A_60, %add3A_58 in 0 : vector<128x8xi32>, vector<2048x8xi32> -> vector<2176x8xi32>
    %slice3A_62 = vector.extract_strided_slice %pad3A_61 {offsets = [0, 0], sizes = [2048, 8], strides = [1, 1]} : vector<2176x8xi32> to vector<2048x8xi32>
    %add3A_63 = arith.addi %add3A_58, %slice3A_62 : vector<2048x8xi32>
    %jit3A_64 = arith.constant 0 : i32
    %pad3A_65 = vector.broadcast %jit3A_64 : i32 to vector<256x8xi32>
    %pad3A_66 = tpu.concatenate %pad3A_65, %add3A_63 in 0 : vector<256x8xi32>, vector<2048x8xi32> -> vector<2304x8xi32>
    %slice3A_67 = vector.extract_strided_slice %pad3A_66 {offsets = [0, 0], sizes = [2048, 8], strides = [1, 1]} : vector<2304x8xi32> to vector<2048x8xi32>
    %add3A_68 = arith.addi %add3A_63, %slice3A_67 : vector<2048x8xi32>
    %jit3A_69 = arith.constant 0 : i32
    %pad3A_70 = vector.broadcast %jit3A_69 : i32 to vector<512x8xi32>
    %pad3A_71 = tpu.concatenate %pad3A_70, %add3A_68 in 0 : vector<512x8xi32>, vector<2048x8xi32> -> vector<2560x8xi32>
    %slice3A_72 = vector.extract_strided_slice %pad3A_71 {offsets = [0, 0], sizes = [2048, 8], strides = [1, 1]} : vector<2560x8xi32> to vector<2048x8xi32>
    %add3A_73 = arith.addi %add3A_68, %slice3A_72 : vector<2048x8xi32>
    %jit3A_74 = arith.constant 0 : i32
    %pad3A_75 = vector.broadcast %jit3A_74 : i32 to vector<1024x8xi32>
    %pad3A_76 = tpu.concatenate %pad3A_75, %add3A_73 in 0 : vector<1024x8xi32>, vector<2048x8xi32> -> vector<3072x8xi32>
    %slice3A_77 = vector.extract_strided_slice %pad3A_76 {offsets = [0, 0], sizes = [2048, 8], strides = [1, 1]} : vector<3072x8xi32> to vector<2048x8xi32>
    %add3A_78 = arith.addi %add3A_73, %slice3A_77 : vector<2048x8xi32>
    %sub3A = arith.subi %add3A_78, %convert_element_type3A_26 : vector<2048x8xi32>
    %slice3A_79 = vector.extract_strided_slice %add3A_78 {offsets = [2047, 0], sizes = [1, 8], strides = [1, 1]} : vector<2048x8xi32> to vector<1x8xi32>
    %add3A_80 = arith.constant 128 : i32
    %add3A_81 = vector.broadcast %add3A_80 : i32 to vector<1x8xi32>
    %add3A_82 = arith.addi %slice3A_79, %add3A_81 : vector<1x8xi32>
    %sub3A_83 = arith.constant 1 : i32
    %sub3A_84 = vector.broadcast %sub3A_83 : i32 to vector<1x8xi32>
    %sub3A_85 = arith.subi %add3A_82, %sub3A_84 : vector<1x8xi32>
    %jit3A_86 = arith.constant 128 : i32
    %div3A = vector.broadcast %jit3A_86 : i32 to vector<1x8xi32>
    %div3A_87 = arith.divsi %sub3A_85, %div3A : vector<1x8xi32>
    %sign3A = arith.constant 0 : i32
    %sign3A_88 = vector.broadcast %sign3A : i32 to vector<1x8xi32>
    %sign3A_89 = arith.cmpi sgt, %sub3A_85, %sign3A_88 : vector<1x8xi32>
    %sign3A_90 = arith.extui %sign3A_89 : vector<1x8xi1> to vector<1x8xi32>
    %sign3A_91 = arith.constant 0 : i32
    %sign3A_92 = vector.broadcast %sign3A_91 : i32 to vector<1x8xi32>
    %sign3A_93 = arith.cmpi slt, %sub3A_85, %sign3A_92 : vector<1x8xi32>
    %sign3A_94 = arith.extui %sign3A_93 : vector<1x8xi1> to vector<1x8xi32>
    %sign3A_95 = arith.subi %sign3A_90, %sign3A_94 : vector<1x8xi32>
    %sign3A_96 = arith.constant 0 : i32
    %sign3A_97 = arith.cmpi sgt, %jit3A_86, %sign3A_96 : i32
    %sign3A_98 = arith.extui %sign3A_97 : i1 to i32
    %sign3A_99 = arith.constant 0 : i32
    %sign3A_100 = arith.cmpi slt, %jit3A_86, %sign3A_99 : i32
    %sign3A_101 = arith.extui %sign3A_100 : i1 to i32
    %sign3A_102 = arith.subi %sign3A_98, %sign3A_101 : i32
    %ne3A = vector.broadcast %sign3A_102 : i32 to vector<1x8xi32>
    %ne3A_103 = arith.cmpi ne, %sign3A_95, %ne3A : vector<1x8xi32>
    %rem3A = vector.broadcast %jit3A_86 : i32 to vector<1x8xi32>
    %rem3A_104 = arith.remsi %sub3A_85, %rem3A : vector<1x8xi32>
    %ne3A_105 = arith.constant 0 : i32
    %ne3A_106 = vector.broadcast %ne3A_105 : i32 to vector<1x8xi32>
    %ne3A_107 = arith.cmpi ne, %rem3A_104, %ne3A_106 : vector<1x8xi32>
    %and3A = arith.andi %ne3A_103, %ne3A_107 : vector<1x8xi1>
    %sub3A_108 = arith.constant 1 : i32
    %sub3A_109 = vector.broadcast %sub3A_108 : i32 to vector<1x8xi32>
    %sub3A_110 = arith.subi %div3A_87, %sub3A_109 : vector<1x8xi32>
    %select_n3A_111 = arith.select %and3A, %sub3A_110, %div3A_87 : vector<1x8xi1>, vector<1x8xi32>
    %jit3A_112 = arith.constant 0 : i32
    %pad3A_113 = vector.broadcast %jit3A_112 : i32 to vector<1x1xi32>
    %pad3A_114 = tpu.concatenate %pad3A_113, %select_n3A_111 in 1 : vector<1x1xi32>, vector<1x8xi32> -> vector<1x9xi32>
    %slice3A_115 = vector.extract_strided_slice %pad3A_114 {offsets = [0, 0], sizes = [1, 8], strides = [1, 1]} : vector<1x9xi32> to vector<1x8xi32>
    %add3A_116 = arith.addi %select_n3A_111, %slice3A_115 : vector<1x8xi32>
    %jit3A_117 = arith.constant 0 : i32
    %pad3A_118 = vector.broadcast %jit3A_117 : i32 to vector<1x2xi32>
    %pad3A_119 = tpu.concatenate %pad3A_118, %add3A_116 in 1 : vector<1x2xi32>, vector<1x8xi32> -> vector<1x10xi32>
    %slice3A_120 = vector.extract_strided_slice %pad3A_119 {offsets = [0, 0], sizes = [1, 8], strides = [1, 1]} : vector<1x10xi32> to vector<1x8xi32>
    %add3A_121 = arith.addi %add3A_116, %slice3A_120 : vector<1x8xi32>
    %jit3A_122 = arith.constant 0 : i32
    %pad3A_123 = vector.broadcast %jit3A_122 : i32 to vector<1x4xi32>
    %pad3A_124 = tpu.concatenate %pad3A_123, %add3A_121 in 1 : vector<1x4xi32>, vector<1x8xi32> -> vector<1x12xi32>
    %slice3A_125 = vector.extract_strided_slice %pad3A_124 {offsets = [0, 0], sizes = [1, 8], strides = [1, 1]} : vector<1x12xi32> to vector<1x8xi32>
    %add3A_126 = arith.addi %add3A_121, %slice3A_125 : vector<1x8xi32>
    %sub3A_127 = arith.subi %add3A_126, %select_n3A_111 : vector<1x8xi32>
    %mul3A = arith.constant 128 : i32
    %mul3A_128 = vector.broadcast %mul3A : i32 to vector<1x8xi32>
    %mul3A_129 = arith.muli %sub3A_127, %mul3A_128 : vector<1x8xi32>
    %jit3A_130 = arith.constant 0 : i32
    %broadcast_in_dim3A_131 = vector.broadcast %jit3A_130 : i32 to vector<2048x8xi32>
    %select_n3A_132 = arith.select %eq3A_14, %sub3A, %broadcast_in_dim3A_131 : vector<2048x8xi1>, vector<2048x8xi32>
    %reduce_sum3A = arith.constant dense<0> : vector<2048xi32>
    %reduce_sum3A_133 = vector.multi_reduction <add>, %select_n3A_132, %reduce_sum3A [1] : vector<2048x8xi32> to vector<2048xi32>
    %broadcast_in_dim3A_134 = vector.shape_cast %reduce_sum3A_133 : vector<2048xi32> to vector<2048x1xi32>
    %broadcast_in_dim3A_135 = vector.shape_cast %mul3A_129 : vector<1x8xi32> to vector<1x8xi32>
    %broadcast_in_dim3A_136 = vector.broadcast %broadcast_in_dim3A_135 : vector<1x8xi32> to vector<2048x8xi32>
    %jit3A_137 = arith.constant 0 : i32
    %broadcast_in_dim3A_138 = vector.broadcast %jit3A_137 : i32 to vector<2048x8xi32>
    %select_n3A_139 = arith.select %eq3A_14, %broadcast_in_dim3A_136, %broadcast_in_dim3A_138 : vector<2048x8xi1>, vector<2048x8xi32>
    %reduce_sum3A_140 = arith.constant dense<0> : vector<2048xi32>
    %reduce_sum3A_141 = vector.multi_reduction <add>, %select_n3A_139, %reduce_sum3A_140 [1] : vector<2048x8xi32> to vector<2048xi32>
    %broadcast_in_dim3A_142 = vector.shape_cast %reduce_sum3A_141 : vector<2048xi32> to vector<2048x1xi32>
    %add3A_143 = arith.addi %broadcast_in_dim3A_142, %broadcast_in_dim3A_134 : vector<2048x1xi32>
    %iota3A_144 = tpu.iota {dimensions = array<i32: 1>} : vector<2048x4xi32>
    %mul3A_145 = arith.constant 4 : i32
    %mul3A_146 = vector.broadcast %mul3A_145 : i32 to vector<2048x1xi32>
    %mul3A_147 = arith.muli %add3A_143, %mul3A_146 : vector<2048x1xi32>
    %add3A_148 = vector.broadcast %mul3A_147 : vector<2048x1xi32> to vector<2048x4xi32>
    %add3A_149 = arith.addi %add3A_148, %iota3A_144 : vector<2048x4xi32>
    %swap3A_150 = arith.constant 0 : index
    %swap3A_151 = arith.constant 0 : index
    %swap3A_152 = vector.load %arg3[%swap3A_150, %swap3A_151] : memref<2048x4xi32, #tpu.memory_space<vmem>>, vector<2048x4xi32>
    tpu.vector_store %arg3[%swap3A_150, %swap3A_151], %add3A_149 {strides = array<i32>} : memref<2048x4xi32, #tpu.memory_space<vmem>>, vector<2048x4xi32>,
    %slice3A_153 = vector.extract_strided_slice %add3A_126 {offsets = [0, 7], sizes = [1, 1], strides = [1, 1]} : vector<1x8xi32> to vector<1x1xi32>
    %swap3A_154 = arith.constant 0 : index
    %swap3A_155 = arith.constant 0 : index
    %swap3A_156 = vector.load %arg5[%swap3A_154, %swap3A_155] : memref<1x1xi32, #tpu.memory_space<vmem>>, vector<1x1xi32>
    tpu.vector_store %arg5[%swap3A_154, %swap3A_155], %slice3A_153 {strides = array<i32>} : memref<1x1xi32, #tpu.memory_space<vmem>>, vector<1x1xi32>,
    %iota3A_157 = tpu.iota {dimensions = array<i32: 0>} : vector<24x8xi32>
    %sub3A_158 = arith.constant 1 : i32
    %sub3A_159 = vector.broadcast %sub3A_158 : i32 to vector<1x1xi32>
    %sub3A_160 = arith.subi %slice3A_153, %sub3A_159 : vector<1x1xi32>
    %min3A = vector.broadcast %sub3A_160 : vector<1x1xi32> to vector<24x8xi32>
    %min3A_161 = arith.minsi %iota3A_157, %min3A : vector<24x8xi32>
    %ge3A = vector.broadcast %add3A_126 : vector<1x8xi32> to vector<24x8xi32>
    %ge3A_162 = arith.cmpi sge, %min3A_161, %ge3A : vector<24x8xi32>
    %convert_element_type3A_163 = arith.extui %ge3A_162 : vector<24x8xi1> to vector<24x8xi32>
    %reduce_sum3A_164 = arith.constant dense<0> : vector<24xi32>
    %reduce_sum3A_165 = vector.multi_reduction <add>, %convert_element_type3A_163, %reduce_sum3A_164 [1] : vector<24x8xi32> to vector<24xi32>
    %broadcast_in_dim3A_166 = vector.shape_cast %reduce_sum3A_165 : vector<24xi32> to vector<24x1xi32>
    %swap3A_167 = arith.constant 0 : index
    %swap3A_168 = arith.constant 0 : index
    %swap3A_169 = vector.load %arg4[%swap3A_167, %swap3A_168] : memref<24x1xi32, #tpu.memory_space<vmem>>, vector<24x1xi32>
    tpu.vector_store %arg4[%swap3A_167, %swap3A_168], %broadcast_in_dim3A_166 {strides = array<i32>} : memref<24x1xi32, #tpu.memory_space<vmem>>, vector<24x1xi32>,
    return
  }
}

module attributes {stable_mosaic.version = 14 : i64} {
  func.func @_gmm_body(%arg0: i32, %arg1: memref<24xi32, #tpu.memory_space<smem>>, %arg2: memref<1xi32, #tpu.memory_space<smem>>, %arg3: memref<128x1024xf32, #tpu.memory_space<vmem>>, %arg4: memref<1x1024x2048xf32, #tpu.memory_space<vmem>>, %arg5: memref<1x1024x2048xf32, #tpu.memory_space<vmem>>, %arg6: memref<1x2048x1024xf32, #tpu.memory_space<vmem>>, %arg7: memref<128x1024xf32, #tpu.memory_space<vmem>>) attributes {dimension_semantics = [#tpu.dimension_semantics<arbitrary>], iteration_bounds = array<i64: 24>, scalar_prefetch = 2 : i64, scratch_operands = 0 : i64, tpu.core_type = #tpu.core_type<tc>, window_params = [{transform_indices = @transform_0, window_bounds = array<i64: 128, 1024>}, {transform_indices = @transform_1, window_bounds = array<i64: 1, 1024, 2048>}, {transform_indices = @transform_2, window_bounds = array<i64: 1, 1024, 2048>}, {transform_indices = @transform_3, window_bounds = array<i64: 1, 2048, 1024>}, {transform_indices = @transform_4, window_bounds = array<i64: 128, 1024>}]} {
    %get3A = arith.constant 0 : index
    %get3A_0 = memref.load %arg2[%get3A] : memref<1xi32, #tpu.memory_space<smem>>
    %lt3A = arith.cmpi slt, %arg0, %get3A_0 : i32
    %convert_element_type3A = arith.extui %lt3A : i1 to i32
    %cond3A = arith.constant 0 : i32
    %cond3A_1 = arith.cmpi ne, %convert_element_type3A, %cond3A : i32
    scf.if %cond3A_1 {
      %get3A_2 = arith.constant 0 : index
      %get3A_3 = arith.constant 0 : index
      %get3A_4 = vector.load %arg3[%get3A_2, %get3A_3] : memref<128x1024xf32, #tpu.memory_space<vmem>>, vector<128x1024xf32>
      %convert_element_type3A_5 = arith.truncf %get3A_4 : vector<128x1024xf32> to vector<128x1024xbf16>
      %get3A_6 = arith.constant 0 : index
      %get3A_7 = arith.constant 0 : index
      %get3A_8 = arith.constant 0 : index
      %get3A_9 = vector.load %arg4[%get3A_6, %get3A_7, %get3A_8] : memref<1x1024x2048xf32, #tpu.memory_space<vmem>>, vector<1x1024x2048xf32>
      %get3A_10 = vector.shape_cast %get3A_9 : vector<1x1024x2048xf32> to vector<1024x2048xf32>
      %convert_element_type3A_11 = arith.truncf %get3A_10 : vector<1024x2048xf32> to vector<1024x2048xbf16>
      %get3A_12 = arith.constant 0 : index
      %get3A_13 = arith.constant 0 : index
      %get3A_14 = arith.constant 0 : index
      %get3A_15 = vector.load %arg5[%get3A_12, %get3A_13, %get3A_14] : memref<1x1024x2048xf32, #tpu.memory_space<vmem>>, vector<1x1024x2048xf32>
      %get3A_16 = vector.shape_cast %get3A_15 : vector<1x1024x2048xf32> to vector<1024x2048xf32>
      %convert_element_type3A_17 = arith.truncf %get3A_16 : vector<1024x2048xf32> to vector<1024x2048xbf16>
      %get3A_18 = arith.constant 0 : index
      %get3A_19 = arith.constant 0 : index
      %get3A_20 = arith.constant 0 : index
      %get3A_21 = vector.load %arg6[%get3A_18, %get3A_19, %get3A_20] : memref<1x2048x1024xf32, #tpu.memory_space<vmem>>, vector<1x2048x1024xf32>
      %get3A_22 = vector.shape_cast %get3A_21 : vector<1x2048x1024xf32> to vector<2048x1024xf32>
      %convert_element_type3A_23 = arith.truncf %get3A_22 : vector<2048x1024xf32> to vector<2048x1024xbf16>
      %dot_general3A = arith.constant dense<0.000000e+00> : vector<128x2048xf32>
      %dot_general3A_24 = tpu.matmul %convert_element_type3A_5, %convert_element_type3A_11, %dot_general3A {dimension_numbers = #tpu.dot_dimension_numbers<[1], [0], [0], [1], [0, 0, 1, 1], [], []>, transpose_lhs_hint = false} : vector<128x1024xbf16>, vector<1024x2048xbf16>, vector<128x2048xf32> -> vector<128x2048xf32>
      %dot_general3A_25 = arith.constant dense<0.000000e+00> : vector<128x2048xf32>
      %dot_general3A_26 = tpu.matmul %convert_element_type3A_5, %convert_element_type3A_17, %dot_general3A_25 {dimension_numbers = #tpu.dot_dimension_numbers<[1], [0], [0], [1], [0, 0, 1, 1], [], []>, transpose_lhs_hint = false} : vector<128x1024xbf16>, vector<1024x2048xbf16>, vector<128x2048xf32> -> vector<128x2048xf32>
      %logistic3A = arith.negf %dot_general3A_24 : vector<128x2048xf32>
      %logistic3A_27 = math.exp %logistic3A : vector<128x2048xf32>
      %logistic3A_28 = arith.constant 1.000000e+00 : f32
      %logistic3A_29 = vector.broadcast %logistic3A_28 : f32 to vector<128x2048xf32>
      %logistic3A_30 = arith.addf %logistic3A_29, %logistic3A_27 : vector<128x2048xf32>
      %logistic3A_31 = arith.divf %logistic3A_29, %logistic3A_30 : vector<128x2048xf32>
      %mul3A = arith.mulf %dot_general3A_24, %logistic3A_31 : vector<128x2048xf32>
      %mul3A_32 = arith.mulf %mul3A, %dot_general3A_26 : vector<128x2048xf32>
      %convert_element_type3A_33 = arith.truncf %mul3A_32 : vector<128x2048xf32> to vector<128x2048xbf16>
      %dot_general3A_34 = arith.constant dense<0.000000e+00> : vector<128x1024xf32>
      %dot_general3A_35 = tpu.matmul %convert_element_type3A_33, %convert_element_type3A_23, %dot_general3A_34 {dimension_numbers = #tpu.dot_dimension_numbers<[1], [0], [0], [1], [0, 0, 1, 1], [], []>, transpose_lhs_hint = false} : vector<128x2048xbf16>, vector<2048x1024xbf16>, vector<128x1024xf32> -> vector<128x1024xf32>
      %swap3A = arith.constant 0 : index
      %swap3A_36 = arith.constant 0 : index
      %swap3A_37 = vector.load %arg7[%swap3A, %swap3A_36] : memref<128x1024xf32, #tpu.memory_space<vmem>>, vector<128x1024xf32>
      tpu.vector_store %arg7[%swap3A, %swap3A_36], %dot_general3A_35 {strides = array<i32>} : memref<128x1024xf32, #tpu.memory_space<vmem>>, vector<128x1024xf32>,
    } else {
    }
    return
  }
  func.func @transform_0(%arg0: i32, %arg1: memref<24xi32, #tpu.memory_space<smem>>, %arg2: memref<1xi32, #tpu.memory_space<smem>>) -> (i32, i32) {
    %get3A = arith.constant 0 : index
    %get3A_0 = memref.load %arg2[%get3A] : memref<1xi32, #tpu.memory_space<smem>>
    %sub3A = arith.constant 1 : i32
    %sub3A_1 = arith.subi %get3A_0, %sub3A : i32
    %min3A = arith.minsi %arg0, %sub3A_1 : i32
    %c0_i32 = arith.constant 0 : i32
    %c0_i32_2 = arith.constant 0 : i32
    return %min3A, %c0_i32 : i32, i32
  }
  func.func @transform_1(%arg0: i32, %arg1: memref<24xi32, #tpu.memory_space<smem>>, %arg2: memref<1xi32, #tpu.memory_space<smem>>) -> (i32, i32, i32) {
    %get3A = arith.index_cast %arg0 : i32 to index
    %get3A_0 = memref.load %arg1[%get3A] : memref<24xi32, #tpu.memory_space<smem>>
    %c0_i32 = arith.constant 0 : i32
    %c0_i32_1 = arith.constant 0 : i32
    %c0_i32_2 = arith.constant 0 : i32
    return %get3A_0, %c0_i32, %c0_i32_1 : i32, i32, i32
  }
  func.func @transform_2(%arg0: i32, %arg1: memref<24xi32, #tpu.memory_space<smem>>, %arg2: memref<1xi32, #tpu.memory_space<smem>>) -> (i32, i32, i32) {
    %get3A = arith.index_cast %arg0 : i32 to index
    %get3A_0 = memref.load %arg1[%get3A] : memref<24xi32, #tpu.memory_space<smem>>
    %c0_i32 = arith.constant 0 : i32
    %c0_i32_1 = arith.constant 0 : i32
    %c0_i32_2 = arith.constant 0 : i32
    return %get3A_0, %c0_i32, %c0_i32_1 : i32, i32, i32
  }
  func.func @transform_3(%arg0: i32, %arg1: memref<24xi32, #tpu.memory_space<smem>>, %arg2: memref<1xi32, #tpu.memory_space<smem>>) -> (i32, i32, i32) {
    %get3A = arith.index_cast %arg0 : i32 to index
    %get3A_0 = memref.load %arg1[%get3A] : memref<24xi32, #tpu.memory_space<smem>>
    %c0_i32 = arith.constant 0 : i32
    %c0_i32_1 = arith.constant 0 : i32
    %c0_i32_2 = arith.constant 0 : i32
    return %get3A_0, %c0_i32, %c0_i32_1 : i32, i32, i32
  }
  func.func @transform_4(%arg0: i32, %arg1: memref<24xi32, #tpu.memory_space<smem>>, %arg2: memref<1xi32, #tpu.memory_space<smem>>) -> (i32, i32) {
    %get3A = arith.constant 0 : index
    %get3A_0 = memref.load %arg2[%get3A] : memref<1xi32, #tpu.memory_space<smem>>
    %sub3A = arith.constant 1 : i32
    %sub3A_1 = arith.subi %get3A_0, %sub3A : i32
    %min3A = arith.minsi %arg0, %sub3A_1 : i32
    %c0_i32 = arith.constant 0 : i32
    %c0_i32_2 = arith.constant 0 : i32
    return %min3A, %c0_i32 : i32, i32
  }
}

module attributes {stable_mosaic.version = 14 : i64} {
  func.func @_shared_add_body(%arg0: i32, %arg1: memref<256x1024xbf16, #tpu.memory_space<vmem>>, %arg2: memref<1024x2048xf32, #tpu.memory_space<vmem>>, %arg3: memref<1024x2048xf32, #tpu.memory_space<vmem>>, %arg4: memref<2048x1024xf32, #tpu.memory_space<vmem>>, %arg5: memref<256x1024xf32, #tpu.memory_space<vmem>>, %arg6: memref<256x8xf32, #tpu.memory_space<vmem>>, %arg7: memref<256x1024xf32, #tpu.memory_space<vmem>>) attributes {dimension_semantics = [#tpu.dimension_semantics<arbitrary>], iteration_bounds = array<i64: 8>, scalar_prefetch = 0 : i64, scratch_operands = 0 : i64, tpu.core_type = #tpu.core_type<tc>, window_params = [{transform_indices = @transform_0, window_bounds = array<i64: 256, 1024>}, {pipeline_mode = #tpu.pipeline_mode<synchronous>, transform_indices = @transform_1, window_bounds = array<i64: 1024, 2048>}, {pipeline_mode = #tpu.pipeline_mode<synchronous>, transform_indices = @transform_2, window_bounds = array<i64: 1024, 2048>}, {pipeline_mode = #tpu.pipeline_mode<synchronous>, transform_indices = @transform_3, window_bounds = array<i64: 2048, 1024>}, {transform_indices = @transform_4, window_bounds = array<i64: 256, 1024>}, {transform_indices = @transform_5, window_bounds = array<i64: 256, 8>}, {transform_indices = @transform_6, window_bounds = array<i64: 256, 1024>}]} {
    %get3A = arith.constant 0 : index
    %get3A_0 = arith.constant 0 : index
    %get3A_1 = vector.load %arg1[%get3A, %get3A_0] : memref<256x1024xbf16, #tpu.memory_space<vmem>>, vector<256x1024xbf16>
    %get3A_2 = arith.constant 0 : index
    %get3A_3 = arith.constant 0 : index
    %get3A_4 = vector.load %arg2[%get3A_2, %get3A_3] : memref<1024x2048xf32, #tpu.memory_space<vmem>>, vector<1024x2048xf32>
    %convert_element_type3A = arith.truncf %get3A_4 : vector<1024x2048xf32> to vector<1024x2048xbf16>
    %get3A_5 = arith.constant 0 : index
    %get3A_6 = arith.constant 0 : index
    %get3A_7 = vector.load %arg3[%get3A_5, %get3A_6] : memref<1024x2048xf32, #tpu.memory_space<vmem>>, vector<1024x2048xf32>
    %convert_element_type3A_8 = arith.truncf %get3A_7 : vector<1024x2048xf32> to vector<1024x2048xbf16>
    %get3A_9 = arith.constant 0 : index
    %get3A_10 = arith.constant 0 : index
    %get3A_11 = vector.load %arg4[%get3A_9, %get3A_10] : memref<2048x1024xf32, #tpu.memory_space<vmem>>, vector<2048x1024xf32>
    %convert_element_type3A_12 = arith.truncf %get3A_11 : vector<2048x1024xf32> to vector<2048x1024xbf16>
    %dot_general3A = arith.constant dense<0.000000e+00> : vector<256x2048xf32>
    %dot_general3A_13 = tpu.matmul %get3A_1, %convert_element_type3A, %dot_general3A {dimension_numbers = #tpu.dot_dimension_numbers<[1], [0], [0], [1], [0, 0, 1, 1], [], []>, transpose_lhs_hint = false} : vector<256x1024xbf16>, vector<1024x2048xbf16>, vector<256x2048xf32> -> vector<256x2048xf32>
    %dot_general3A_14 = arith.constant dense<0.000000e+00> : vector<256x2048xf32>
    %dot_general3A_15 = tpu.matmul %get3A_1, %convert_element_type3A_8, %dot_general3A_14 {dimension_numbers = #tpu.dot_dimension_numbers<[1], [0], [0], [1], [0, 0, 1, 1], [], []>, transpose_lhs_hint = false} : vector<256x1024xbf16>, vector<1024x2048xbf16>, vector<256x2048xf32> -> vector<256x2048xf32>
    %logistic3A = arith.negf %dot_general3A_13 : vector<256x2048xf32>
    %logistic3A_16 = math.exp %logistic3A : vector<256x2048xf32>
    %logistic3A_17 = arith.constant 1.000000e+00 : f32
    %logistic3A_18 = vector.broadcast %logistic3A_17 : f32 to vector<256x2048xf32>
    %logistic3A_19 = arith.addf %logistic3A_18, %logistic3A_16 : vector<256x2048xf32>
    %logistic3A_20 = arith.divf %logistic3A_18, %logistic3A_19 : vector<256x2048xf32>
    %mul3A = arith.mulf %dot_general3A_13, %logistic3A_20 : vector<256x2048xf32>
    %mul3A_21 = arith.mulf %mul3A, %dot_general3A_15 : vector<256x2048xf32>
    %convert_element_type3A_22 = arith.truncf %mul3A_21 : vector<256x2048xf32> to vector<256x2048xbf16>
    %dot_general3A_23 = arith.constant dense<0.000000e+00> : vector<256x1024xf32>
    %dot_general3A_24 = tpu.matmul %convert_element_type3A_22, %convert_element_type3A_12, %dot_general3A_23 {dimension_numbers = #tpu.dot_dimension_numbers<[1], [0], [0], [1], [0, 0, 1, 1], [], []>, transpose_lhs_hint = false} : vector<256x2048xbf16>, vector<2048x1024xbf16>, vector<256x1024xf32> -> vector<256x1024xf32>
    %get3A_25 = arith.constant 0 : index
    %get3A_26 = arith.constant 0 : index
    %get3A_27 = vector.load %arg6[%get3A_25, %get3A_26] : memref<256x8xf32, #tpu.memory_space<vmem>>, vector<256x8xf32>
    %reduce_sum3A = arith.constant dense<0.000000e+00> : vector<256xf32>
    %reduce_sum3A_28 = vector.multi_reduction <add>, %get3A_27, %reduce_sum3A [1] : vector<256x8xf32> to vector<256xf32>
    %broadcast_in_dim3A = vector.shape_cast %reduce_sum3A_28 : vector<256xf32> to vector<256x1xf32>
    %get3A_29 = arith.constant 0 : index
    %get3A_30 = arith.constant 0 : index
    %get3A_31 = vector.load %arg5[%get3A_29, %get3A_30] : memref<256x1024xf32, #tpu.memory_space<vmem>>, vector<256x1024xf32>
    %mul3A_32 = vector.broadcast %broadcast_in_dim3A : vector<256x1xf32> to vector<256x1024xf32>
    %mul3A_33 = arith.mulf %get3A_31, %mul3A_32 : vector<256x1024xf32>
    %add3A = arith.addf %dot_general3A_24, %mul3A_33 : vector<256x1024xf32>
    %swap3A = arith.constant 0 : index
    %swap3A_34 = arith.constant 0 : index
    %swap3A_35 = vector.load %arg7[%swap3A, %swap3A_34] : memref<256x1024xf32, #tpu.memory_space<vmem>>, vector<256x1024xf32>
    tpu.vector_store %arg7[%swap3A, %swap3A_34], %add3A {strides = array<i32>} : memref<256x1024xf32, #tpu.memory_space<vmem>>, vector<256x1024xf32>,
    return
  }
  func.func @transform_0(%arg0: i32) -> (i32, i32) {
    %c0_i32 = arith.constant 0 : i32
    %c0_i32_0 = arith.constant 0 : i32
    return %arg0, %c0_i32 : i32, i32
  }
  func.func @transform_1(%arg0: i32) -> (i32, i32) {
    %c0_i32 = arith.constant 0 : i32
    %c0_i32_0 = arith.constant 0 : i32
    %c0_i32_1 = arith.constant 0 : i32
    return %c0_i32, %c0_i32_0 : i32, i32
  }
  func.func @transform_2(%arg0: i32) -> (i32, i32) {
    %c0_i32 = arith.constant 0 : i32
    %c0_i32_0 = arith.constant 0 : i32
    %c0_i32_1 = arith.constant 0 : i32
    return %c0_i32, %c0_i32_0 : i32, i32
  }
  func.func @transform_3(%arg0: i32) -> (i32, i32) {
    %c0_i32 = arith.constant 0 : i32
    %c0_i32_0 = arith.constant 0 : i32
    %c0_i32_1 = arith.constant 0 : i32
    return %c0_i32, %c0_i32_0 : i32, i32
  }
  func.func @transform_4(%arg0: i32) -> (i32, i32) {
    %c0_i32 = arith.constant 0 : i32
    %c0_i32_0 = arith.constant 0 : i32
    return %arg0, %c0_i32 : i32, i32
  }
  func.func @transform_5(%arg0: i32) -> (i32, i32) {
    %c0_i32 = arith.constant 0 : i32
    %c0_i32_0 = arith.constant 0 : i32
    return %arg0, %c0_i32 : i32, i32
  }
  func.func @transform_6(%arg0: i32) -> (i32, i32) {
    %c0_i32 = arith.constant 0 : i32
    %c0_i32_0 = arith.constant 0 : i32
    return %arg0, %c0_i32 : i32, i32
  }
}

</mosaic_0001>

<sc_bundles>
// kernel: kernel.10.cloned.1.call-start
scs
__scs_entry_jumppad:
0x0: {  	(pc) =	sbr.rel $0x88, $3  }
0x1: {  	(tag) =	ssettag $0x0;
	lr =	simm.s32 $0x1  }
0x2: {  	[smem:$0x3F99] =	sst lr;
	_ =	strace $0xD0000000  }
0x3: {  	_ = 	snop  }
0x4: {  	_ = 	snop  }
0x5: {  	_ = 	snop  }
0x6: {  	_ = 	snop  }
0x7: {  	_ = 	snop  }
__scs_overlays_trampoline_lowered:
0x8: {  	[smem:$0x3FA8] =	sst s0  }
0x9: {  	[smem:$0x3FA9] =	sst s1  }
0xa: {  	[smem:$0x3FAA] =	sst s2  }
0xb: {  	[smem:$0x3FAB] =	sst s3  }
0xc: {  	[smem:$0x3FAC] =	sst s4  }
0xd: {  	[smem:$0x3FAD] =	sst s5  }
0xe: {  	[smem:$0x3FAE] =	sst s6  }
0xf: {  	[smem:$0x3FAF] =	sst s7  }
0x10: {  	[smem:$0x3FB0] =	sst s8  }
0x11: {  	[smem:$0x3FB1] =	sst s9;
	s0 =	simm.s32 @!p0 $0x0  }
0x12: {  	s1 =	sld [smem:$0x3F97];
	s0 =	simm.s32 @p0 $0x1  }
0x13: {  	[smem:$0x3FB2] =	sst s0;
	s0 =	simm.s32 @!p1 $0x0  }
0x14: {  	s2 =	sld [smem:$0x3F96];
	s0 =	simm.s32 @p1 $0x1  }
0x15: {  	[smem:$0x3FB3] =	sst s0;
	s0 =	simm.s32 @!p2 $0x0  }
0x16: {  	s3 =	sld [smem:$0x3FDB];
	s0 =	simm.s32 @p2 $0x1  }
0x17: {  	s4 =	simm.s32 $0x1BF5;
	[smem:$0x3FB5] =	sst s0  }
0x18: {  	s0 =	sld [smem:$0x3F98];
	_ =	swait.ge [sflag:s4], $0x0  }
0x19: {  	s7 =	sld [smem:$0x3F99]  }
0x1a: {  	s8 =	sadd.s32 $0xFFFFE003, lr  }
0x1b: {  	s9 =	sadd.s32 $0xFFFFFEF7, lr;
	s5 =	simm.s32 $0xFFFFFFFF;
	p2 =	slt.u32 s8, $0xFFFFF086  }
0x1c: {  	p1 =	slt.u32 s9, $0xF7A;
	s5 =	simm.s32 @!p2 $0x0  }
0x1d: {  	s5 =	simm.s32 @p1 $0x1;
	p0 =	seq.s32 s7, s2  }
0x1e: {  	s7 =	smul.u32 @!p0 $0xF7A, s2;
	p2 =	seq.s32 @!p0 s5, $0x0  }
0x1f: {  	s9 =	smul.u32 $0xF7A, s1;
	s8 =	simm.s32 @!p0 $0x1BF5;
	p2 =	por !p2, p0  }
0x20: {  	[sflag:s8] =	ssyncset.s32 @!p0 $0xFFFFF086;
	s6 =	sadd.s32 @!p0 s3, s7;
	s7 =	simm.s32 @!p0 $0x108  }
0x21: {  	s3 =	sadd.s32 s3, s9;
	s6 =	sadd.s32 @!p0 $0x88, s6;
	s7 =	simm.s32 @p2 $0x1082  }
0x22: {  	[simem:s7], [sflag:s8] =	dma.local @!p0 [hbm:s6], $0xF7A  }
0x23: {  	s9 =	sor.u32 $0xD0000000, s2;
	s6 =	simm.s32 $0x108;
	_ =	swait.ge @!p0 [sflag:s8], $0x0  }
0x24: {  	s3 =	sadd.s32 $0x88, s3;
	s6 =	simm.s32 @!p1 $0x1082;
	[sflag:s4] =	ssyncset.s32 $0xFFFFF086  }
0x25: {  	[simem:s6], [sflag:s4] =	dma.local [hbm:s3], $0xF7A  }
0x26: {  	[smem:$0x3F99] =	sst s1;
	(tag) =	ssettag s2;
	_ =	strace s9  }
0x27: {  	s1 =	sld [smem:$0x3FA9]  }
0x28: {  	s2 =	sld [smem:$0x3FAA]  }
0x29: {  	s4 =	sld [smem:$0x3FAC]  }
0x2a: {  	p0 =	seq.s32 s5, $0x0;
	s5 =	sld [smem:$0x3FAD]  }
0x2b: {  	s6 =	sld [smem:$0x3FAE]  }
0x2c: {  	s7 =	sld [smem:$0x3FAF]  }
0x2d: {  	s3 =	simm.s32 $0x108;
	s8 =	sld [smem:$0x3FB0]  }
0x2e: {  	s3 =	simm.s32 @!p0 $0x1082;
	s9 =	sld [smem:$0x3FB1]  }
0x2f: {  	lr =	sadd.s32 s0, s3;
	s0 =	sld [smem:$0x3FA8]  }
0x30: {  	s3 =	sld [smem:$0x3FAB]  }
0x31: {  	[smem:$0x3FB4] =	sst s10  }
0x32: {  	s10 =	sld [smem:$0x3FB2];
	_ =	sdelay $0x3  }
0x33: {  	p0 =	seq.s32 s10, $0x1;
	s10 =	sld [smem:$0x3FB4];
	_ =	sdelay $0x3  }
0x34: {  	[smem:$0x3FB4] =	sst s10  }
0x35: {  	s10 =	sld [smem:$0x3FB3];
	_ =	sdelay $0x3  }
0x36: {  	p1 =	seq.s32 s10, $0x1;
	s10 =	sld [smem:$0x3FB4];
	_ =	sdelay $0x3  }
0x37: {  	[smem:$0x3FB4] =	sst s10  }
0x38: {  	s10 =	sld [smem:$0x3FB5]  }
0x39: {  	_ = 	snop;
	(pc) =	sbr.ind lr, $3  }
0x3a: {  	_ = 	snop  }
0x3b: {  	_ = 	snop  }
0x3c: {  	p2 =	seq.s32 s10, $0x1;
	s10 =	sld [smem:$0x3FB4]  }
0x3d: {  	_ =	shalt  }
0x3e: {  	_ =	shalt  }
0x3f: {  	_ =	shalt  }
0x40: {  	_ =	shalt  }
0x41: {  	_ =	shalt  }
0x42: {  	_ =	shalt  }
0x43: {  	_ =	shalt  }
0x44: {  	_ =	shalt  }
0x45: {  	_ =	shalt  }
0x46: {  	_ =	shalt  }
0x47: {  	_ =	shalt  }
0x48: {  	_ =	shalt  }
0x49: {  	_ =	shalt  }
0x4a: {  	_ =	shalt  }
0x4b: {  	_ =	shalt  }
0x4c: {  	_ =	shalt  }
0x4d: {  	_ =	shalt  }
0x4e: {  	_ =	shalt  }
0x4f: {  	_ =	shalt  }
0x50: {  	_ =	shalt  }
0x51: {  	_ =	shalt  }
0x52: {  	_ =	shalt  }
0x53: {  	_ =	shalt  }
0x54: {  	_ =	shalt  }
0x55: {  	_ =	shalt  }
0x56: {  	_ =	shalt  }
0x57: {  	_ =	shalt  }
0x58: {  	_ =	shalt  }
0x59: {  	_ =	shalt  }
0x5a: {  	_ =	shalt  }
0x5b: {  	_ =	shalt  }
0x5c: {  	_ =	shalt  }
0x5d: {  	_ =	shalt  }
0x5e: {  	_ =	shalt  }
0x5f: {  	_ =	shalt  }
0x60: {  	_ =	shalt  }
0x61: {  	_ =	shalt  }
0x62: {  	_ =	shalt  }
0x63: {  	_ =	shalt  }
0x64: {  	_ =	shalt  }
0x65: {  	_ =	shalt  }
0x66: {  	_ =	shalt  }
0x67: {  	_ =	shalt  }
0x68: {  	_ =	shalt  }
0x69: {  	_ =	shalt  }
0x6a: {  	_ =	shalt  }
0x6b: {  	_ =	shalt  }
0x6c: {  	_ =	shalt  }
0x6d: {  	_ =	shalt  }
0x6e: {  	_ =	shalt  }
0x6f: {  	_ =	shalt  }
0x70: {  	_ =	shalt  }
0x71: {  	_ =	shalt  }
0x72: {  	_ =	shalt  }
0x73: {  	_ =	shalt  }
0x74: {  	_ =	shalt  }
0x75: {  	_ =	shalt  }
0x76: {  	_ =	shalt  }
0x77: {  	_ =	shalt  }
0x78: {  	_ =	shalt  }
0x79: {  	_ =	shalt  }
0x7a: {  	_ =	shalt  }
0x7b: {  	_ =	shalt  }
0x7c: {  	_ =	shalt  }
0x7d: {  	_ =	shalt  }
0x7e: {  	_ =	shalt  }
0x7f: {  	_ =	shalt  }
0x80: {  	_ =	shalt  }
0x81: {  	_ =	shalt  }
0x82: {  	_ =	shalt  }
0x83: {  	_ =	shalt  }
0x84: {  	_ =	shalt  }
0x85: {  	_ =	shalt  }
0x86: {  	_ =	shalt  }
0x87: {  	_ =	shalt  }
.Lfunc_end0:
.L_simem_size_0:
called_computation.1_lowered:
.L_overlay_start_0:
0x88: {  	s2 =	sld [smem:$0x3FD9]  }
0x89: {  	s3 =	sld [smem:$0x3FFE];
	_ =	sdelay $0x1  }
0x8a: {  	s1 =	srdreg.scid  }
0x8b: {  	s0 =	sand.u32 $0x1, s1  }
0x8c: {  	s14 =	sshll.u32 s0, $0xA;
	s2 =	sadd.s32 s3, s2  }
0x8d: {  	s2 =	sadd.s32 s2, s14  }
0x8e: {  	[smem:$0x3FC0] =	sst s2  }
0x8f: {  	_ = 	snop  }
0x90: {  	s2 =	sld [smem:$0x3FD0];
	_ =	sdelay $0x2  }
0x91: {  	s15 =	simm.s32 $0xA;
	s4 =	simm.s32 $0x10  }
0x92: {  	[smem:s4], [sflag:s15] =	dma.local [hbm:s2], $0x1  }
0x93: {  	_ =	swait.eq [sflag:s15], $0x1  }
0x94: {  	[sflag:s15] =	ssyncset.done $0x0  }
0x95: {  	[sflag:s15] =	ssyncadd.s32 $0xFFFFFFFF  }
0x96: {  	s16 =	sld [smem:$0x10];
	(tm) =	ssettm $0x1  }
0x97: {  	s17 =	sld [smem:$0x3FFB];
	_ =	sdelay $0x3  }
0x98: {  	_ =	strace s17  }
0x99: {  	s3 =	sld [smem:$0x3FFC];
	_ =	sdelay $0x3  }
0x9a: {  	_ =	strace s3  }
0x9b: {  	s3 =	sld [smem:$0x3FFD];
	_ =	sdelay $0x3  }
0x9c: {  	_ =	strace s3  }
0x9d: {  	_ =	strace $0x8FFFFFFF  }
0x9e: {  	s18 =	sld [smem:$0x3FDB];
	_ =	sdelay $0x1  }
0x9f: {  	s19 =	simm.s32 $_scs_section_size  }
0xa0: {  	s5 =	simm.s32 $_size__tile_overlayer_lowered;
	s6 =	simm.s32 $_tile_overlayer_lowered  }
0xa1: {  	s22 =	simm.s32 $0x1BFF;
	s21 =	sshll.u32 s6, $0x1;
	s3 =	sadd.s32 s19, s18  }
0xa2: {  	s7 =	simm.s32 $0x0;
	s20 =	sshll.u32 s5, $0x1;
	s5 =	sadd.s32 s21, s3  }
0xa3: {  	[timem:s7], [sflag:s22] =	dma.local [hbm:s5], s20  }
0xa4: {  	_ =	swait.ge [sflag:s22], s20  }
0xa5: {  	s4 =	ssub.s32 $0x0, s20;
	[sflag:s22] =	ssyncset.done $0x0  }
0xa6: {  	[sflag:s22] =	ssyncadd.s32 s4;
	_ =	sdelay $0x1  }
0xa7: {  	s23 =	simm.s32 $0x1B8B  }
0xa8: {  	_ =	swait.ge [sflag:s23], $0x1  }
0xa9: {  	[sflag:s23] =	ssyncset.done $0x0  }
0xaa: {  	s25 =	simm.s32 $0x1B8E;
	s24 =	sld [smem:$0x3FFE];
	[sflag:s23] =	ssyncadd.s32 $0xFFFFFFFF  }
0xab: {  	s26 =	simm.s32 $execute0_lowered;
	[smem:$0x3FD2] =	sst s25  }
0xac: {  	s5 =	sshll.u32 s26, $0x1;
	_ =	strace $0x8000004F;
	[dreg:$0x1] =	wrdreg $0xFFFFFFFF  }
0xad: {  	s28 =	simm.s32 $_size_execute0_lowered;
	s3 =	sadd.s32 s3, s5;
	[dreg:$0x0] =	wrdreg $0x0  }
0xae: {  	s5 =	sshll.u32 s28, $0x1;
	[dreg:$0x2] =	wrdreg s3  }
0xaf: {  	[dreg:$0x3] =	wrdreg s5  }
0xb0: {  	[dreg:$0x4] =	wrdreg $0xC0  }
0xb1: {  	_ =	task [dreg:s7], $0x5FFFF  }
0xb2: {  	[dreg:$0x1] =	wrdreg $0xFFFFFFFF  }
0xb3: {  	[dreg:$0x0] =	wrdreg $0x60  }
0xb4: {  	[dreg:$0x2] =	wrdreg s24  }
0xb5: {  	[dreg:$0x3] =	wrdreg s16  }
0xb6: {  	[dreg:$0x4] =	wrdreg $0x9  }
0xb7: {  	_ =	task.clear_ibuf [dreg:s7], $0x5FFFF;
	_ =	strace $0x9000004F  }
0xb8: {  	s29 =	simm.s32 $0x9;
	_ =	strace $0x80000058  }
0xb9: {  	_ =	swait.ge [sflag:s29], $0x1  }
0xba: {  	[sflag:s29] =	ssyncadd.s32 $0xFFFFFFFF  }
0xbb: {  	_ =	strace $0x90000058  }
0xbc: {  	_ =	sfence  }
0xbd: {  	s30 =	sld [smem:$0x0];
	_ =	sdelay $0x2  }
0xbe: {  	s31 =	sshll.u32 s1, $0xD;
	s1 =	sshrl.u32 s1, $0x2  }
0xbf: {  	s3 =	sand.u32 $0x4000, s31;
	s1 =	sadd.s32 s1, s30  }
0xc0: {  	s0 =	sor.u32 s3, s0;
	s1 =	sshll.u32 s1, $0x11  }
0xc1: {  	s0 =	sor.u32 s1, s0  }
0xc2: {  	s0 =	sadd.s32 $0x8F2B, s0  }
0xc3: {  	[sflag:s0] =	ssyncadd.remote.s32 $0x1  }
0xc4: {  	_ =	sfence.sel $0xFFFF  }
0xc5: {  	[dreg:$0x0] =	wrdreg $0xFFFFFFFF;
	(pc) =	sbr.abs _section_cstart, $3  }
0xc6: {  	[dreg:$0x1] =	wrdreg $0xFFFFFFFF  }
0xc7: {  	_ =	task.clear_ibuf [dreg:s7], $0x2FFFF;
	_ =	strace $0x9FFFFFFF  }
0xc8: {  	(tm) =	ssettm $0x7FFFFFFF  }
0xc9: {  	_ =	shalt  }
tec
execute0_lowered:
.L_overlay_start_1:
0x0: {  	(tag) =	ssettag $0x1  }
0x1: {  	s5 =	rddreg [dreg:$0x0]  }
0x2: {  	s1 =	rddreg [dreg:$0x1]  }
0x3: {  	s0 =	rddreg [dreg:$0x2]  }
0x4: {  	s2 =	simm.s32 $0x0;
	s3 =	srdreg.scid;
	s10 =	simm.s32 $0x4  }
0x5: {  	s11 =	simm.s32 $0x0;
	[smem:$0x7FF] =	sst s2;
	s4 =	sand.u32 $0x1, s3  }
.Ltmp0:
0x6: {  	s3 =	stileid.u32;
	_ =	strace $0x80000050;
	(pc) =	sbr.rel .LBB2_1-.Ltmp0, $4  }
0x7: {  	s6 =	ssub.s32 $0x2, s4;
	s7 =	sshll.u32 s4, $0x4;
	s4 =	sadd.s32 $0x89800, s5  }
0x8: {  	v2 =	vlaneseq.u32;
	s5 =	sadd.s32 $0x29400, s5;
	s8 =	sshrl.u32 s6, $0x1;
	s7 =	sor.u32 s3, s7  }
0x9: {  	vm0 =	vmmov $0xffff;
	v1 =	vshrl.u32 v2, $0x3;
	s8 =	ssub.s32 s6, s8;
	s9 =	sshll.u32 s7, $0x5;
	s6 =	sshll.u32 s7, $0x1  }
0xa: {  	v0 =	vand.u32 $0x7, v2;
	v2 =	vor.u32 $0x8, v2;
	v1 =	vmul.u32 $0x8, v1;
	s7 =	sadd.s32 s5, s9;
	s8 =	smax.u32 s8, $0x1;
	s9 =	simm.s32 $0x5  }
.LBB2_4:
0xb: {  	s12 =	sand.u32 $0x1, s12  }
0xc: {  	_ =	strace $0x80000056;
	s12 =	sadd.s32 $0x3, s12  }
0xd: {  	_ =	swait.ge [sflag:s12], $0x8000  }
0xe: {  	[sflag:s12] =	ssyncset.done $0x0  }
0xf: {  	s11 =	sadd.s32 $0x1, s11;
	[sflag:s12] =	ssyncadd.s32 $0xFFFF8000  }
0x10: {  	p0 =	sne.s32 s11, s8;
	_ =	strace $0x90000056  }
.Ltmp1:
0x11: {  	_ =	strace $0x80000057;
	(pc) =	sbr.rel @!p0 .LBB2_5-.Ltmp1, $4  }
0x12: {  	_ =	swait.ge [sflag:s10], $0x8000  }
0x13: {  	[sflag:s10] =	ssyncset.done $0x0  }
0x14: {  	[sflag:s10] =	ssyncadd.s32 $0xFFFF8000  }
0x15: {  	_ =	strace $0x90000057  }
.LBB2_1:
0x16: {  	_ =	strace $0x80000051  }
0x17: {  	p0 =	por $0x1, $0x1;
	p2 =	por $0x0, $0x0;
	s13 =	simm.s32 $0x0  }
0x18: {  	s12 =	simm.s32 $0x0;
	s17 =	simm.s32 $0x0;
	s14 =	simm.s32 $0x0  }
0x19: {  	[tilespmem:s2], [sflag:$0x1] =	stream.linear.gather [hbm4b:s7+s2], $0x80, $0x200038;
	[tilespmem:$0x10100] =	vst v63  }
0x1a: {  	s15 =	simm.s32 $0x1;
	s16 =	simm.s32 $0x0;
	_ =	strace $0x90000051  }
.LBB2_2:
0x1b: {  	s18 =	smov.u32 s13;
	s13 =	sadd.s32 $0x1, s13  }
0x1c: {  	p1 =	seq.s32 s13, $0x2  }
0x1d: {  	s13 =	simm.s32 @p1 $0x0  }
0x1e: {  	p1 =	sne.s32 s18, s13  }
0x1f: {  	p1 =	por !p0, !p1  }
0x20: {  	p1 =	por !p1, !p1  }
0x21: {  	s19 =	sadd.s32 @p1 s6, s13  }
0x22: {  	s20 =	sand.u32 @p1 $0x1, s15;
	s19 =	sshll.u32 @p1 s19, $0x4  }
0x23: {  	_ =	strace @p1 $0x80000052;
	s22 =	simm.s32 @p1 $0x0;
	s19 =	sand.u32 @p1 $0x1FFFFFF0, s19  }
0x24: {  	s21 =	sshll.u32 @p1 s20, $0x7;
	s20 =	sadd.s32 @p1 $0x1, s20;
	s19 =	sadd.s32 @p1 s5, s19  }
0x25: {  	[tilespmem:s21], [sflag:s20] =	stream.linear.gather @p1 [hbm4b:s19+s22], $0x80, $0x200038;
	[tilespmem:$0x10100] =	vst v63  }
0x26: {  	s23 =	sand.u32 $0x1, s14;
	_ =	strace @p1 $0x90000052  }
0x27: {  	s19 =	sadd.s32 $0x1, s23;
	_ =	strace $0x80000053  }
0x28: {  	_ =	swait.ge [sflag:s19], $0x80  }
0x29: {  	[sflag:s19] =	ssyncset.done $0x0  }
0x2a: {  	[sflag:s19] =	ssyncadd.s32 $0xFFFFFF80  }
0x2b: {  	s24 =	sshll.u32 s14, $0x7;
	_ =	strace $0x90000053  }
0x2c: {  	s22 =	sand.u32 $0x80, s24;
	_ =	strace $0x80000054  }
0x2d: {  	v3 =	vld [tilespmem:s22+$0x0];
	_ =	sdelay $0x4  }
0x2e: {  	v4 =	vshll.u32 v3, $0x1  }
0x2f: {  	v3 =	vand.u32 $0x7, v3;
	v4 =	vand.u32 $0xFFFFFFF0, v4  }
0x30: {  	v3 =	vor.u32 v3, v4  }
0x31: {  	v4 =	vperm.xlane v3, v0;
	_ =	sdelay $0x1  }
0x32: {  	v3 =	vperm.xlane v3, v2;
	v4 =	vadd.s32 v1, v4;
	_ =	sdelay $0x1  }
0x33: {  	s19 =	sand.u32 $0x1, s17;
	v3 =	vadd.s32 v1, v3  }
0x34: {  	s21 =	sshll.u32 s19, $0xF  }
0x35: {  	s20 =	sor.u32 $0x100, s21  }
0x36: {  	[tilespmem:s20], [sflag:$0x5] =	stream.indirect_vreg.gather [hbm4b:s4+s2], $0x80, v4, vm0, $0x2000b8;
	[tilespmem:$0x10100] =	vst v63  }
0x37: {  	s23 =	sor.u32 $0x900, s21  }
0x38: {  	[tilespmem:s23], [sflag:$0x5] =	stream.indirect_vreg.gather [hbm4b:s4+s2], $0x80, v3, vm0, $0x2000b8;
	[tilespmem:$0x10100] =	vst v63  }
0x39: {  	v3 =	vld [tilespmem:s22+$0x10];
	_ =	sdelay $0x4  }
0x3a: {  	v57 =	vshll.u32 v3, $0x1  }
0x3b: {  	v3 =	vand.u32 $0x7, v3;
	v4 =	vand.u32 $0xFFFFFFF0, v57  }
0x3c: {  	v3 =	vor.u32 v3, v4  }
0x3d: {  	v4 =	vperm.xlane v3, v0;
	_ =	sdelay $0x1  }
0x3e: {  	v3 =	vperm.xlane v3, v2;
	v4 =	vadd.s32 v1, v4;
	_ =	sdelay $0x1  }
0x3f: {  	v3 =	vadd.s32 v1, v3;
	_ =	sdelay $0x1  }
0x40: {  	s25 =	sor.u32 $0x1100, s21  }
0x41: {  	[tilespmem:s25], [sflag:$0x5] =	stream.indirect_vreg.gather [hbm4b:s4+s2], $0x80, v4, vm0, $0x2000b8;
	[tilespmem:$0x10100] =	vst v63  }
0x42: {  	s26 =	sor.u32 $0x1900, s21  }
0x43: {  	[tilespmem:s26], [sflag:$0x5] =	stream.indirect_vreg.gather [hbm4b:s4+s2], $0x80, v3, vm0, $0x2000b8;
	[tilespmem:$0x10100] =	vst v63  }
0x44: {  	v3 =	vld [tilespmem:s22+$0x20];
	_ =	sdelay $0x4  }
0x45: {  	v58 =	vshll.u32 v3, $0x1  }
0x46: {  	v3 =	vand.u32 $0x7, v3;
	v4 =	vand.u32 $0xFFFFFFF0, v58  }
0x47: {  	v3 =	vor.u32 v3, v4  }
0x48: {  	v4 =	vperm.xlane v3, v0;
	_ =	sdelay $0x1  }
0x49: {  	v3 =	vperm.xlane v3, v2;
	v4 =	vadd.s32 v1, v4;
	_ =	sdelay $0x1  }
0x4a: {  	v3 =	vadd.s32 v1, v3;
	_ =	sdelay $0x1  }
0x4b: {  	s28 =	sor.u32 $0x2100, s21  }
0x4c: {  	[tilespmem:s28], [sflag:$0x5] =	stream.indirect_vreg.gather [hbm4b:s4+s2], $0x80, v4, vm0, $0x2000b8;
	[tilespmem:$0x10100] =	vst v63  }
0x4d: {  	s29 =	sor.u32 $0x2900, s21  }
0x4e: {  	[tilespmem:s29], [sflag:$0x5] =	stream.indirect_vreg.gather [hbm4b:s4+s2], $0x80, v3, vm0, $0x2000b8;
	[tilespmem:$0x10100] =	vst v63  }
0x4f: {  	v3 =	vld [tilespmem:s22+$0x30];
	_ =	sdelay $0x4  }
0x50: {  	v59 =	vshll.u32 v3, $0x1  }
0x51: {  	v3 =	vand.u32 $0x7, v3;
	v4 =	vand.u32 $0xFFFFFFF0, v59  }
0x52: {  	v3 =	vor.u32 v3, v4  }
0x53: {  	v4 =	vperm.xlane v3, v0;
	_ =	sdelay $0x1  }
0x54: {  	v3 =	vperm.xlane v3, v2;
	v4 =	vadd.s32 v1, v4;
	_ =	sdelay $0x1  }
0x55: {  	v3 =	vadd.s32 v1, v3;
	_ =	sdelay $0x1  }
0x56: {  	s30 =	sor.u32 $0x3100, s21  }
0x57: {  	[tilespmem:s30], [sflag:$0x5] =	stream.indirect_vreg.gather [hbm4b:s4+s2], $0x80, v4, vm0, $0x2000b8;
	[tilespmem:$0x10100] =	vst v63  }
0x58: {  	s31 =	sor.u32 $0x3900, s21  }
0x59: {  	[tilespmem:s31], [sflag:$0x5] =	stream.indirect_vreg.gather [hbm4b:s4+s2], $0x80, v3, vm0, $0x2000b8;
	[tilespmem:$0x10100] =	vst v63  }
0x5a: {  	v3 =	vld [tilespmem:s22+$0x40];
	_ =	sdelay $0x4  }
0x5b: {  	v60 =	vshll.u32 v3, $0x1  }
0x5c: {  	v3 =	vand.u32 $0x7, v3;
	v4 =	vand.u32 $0xFFFFFFF0, v60  }
0x5d: {  	v3 =	vor.u32 v3, v4  }
0x5e: {  	v4 =	vperm.xlane v3, v0;
	_ =	sdelay $0x1  }
0x5f: {  	v3 =	vperm.xlane v3, v2;
	v4 =	vadd.s32 v1, v4;
	_ =	sdelay $0x1  }
0x60: {  	v3 =	vadd.s32 v1, v3;
	_ =	sdelay $0x1  }
0x61: {  	s24 =	sor.u32 $0x4100, s21  }
0x62: {  	[tilespmem:s24], [sflag:$0x5] =	stream.indirect_vreg.gather [hbm4b:s4+s2], $0x80, v4, vm0, $0x2000b8;
	[tilespmem:$0x10100] =	vst v63  }
0x63: {  	s25 =	sor.u32 $0x4900, s21  }
0x64: {  	[tilespmem:s25], [sflag:$0x5] =	stream.indirect_vreg.gather [hbm4b:s4+s2], $0x80, v3, vm0, $0x2000b8;
	[tilespmem:$0x10100] =	vst v63  }
0x65: {  	v3 =	vld [tilespmem:s22+$0x50];
	_ =	sdelay $0x4  }
0x66: {  	v61 =	vshll.u32 v3, $0x1  }
0x67: {  	v3 =	vand.u32 $0x7, v3;
	v4 =	vand.u32 $0xFFFFFFF0, v61  }
0x68: {  	v3 =	vor.u32 v3, v4  }
0x69: {  	v4 =	vperm.xlane v3, v0;
	_ =	sdelay $0x1  }
0x6a: {  	v3 =	vperm.xlane v3, v2;
	v4 =	vadd.s32 v1, v4;
	_ =	sdelay $0x1  }
0x6b: {  	v3 =	vadd.s32 v1, v3;
	_ =	sdelay $0x1  }
0x6c: {  	s26 =	sor.u32 $0x5100, s21  }
0x6d: {  	[tilespmem:s26], [sflag:$0x5] =	stream.indirect_vreg.gather [hbm4b:s4+s2], $0x80, v4, vm0, $0x2000b8;
	[tilespmem:$0x10100] =	vst v63  }
0x6e: {  	s28 =	sor.u32 $0x5900, s21  }
0x6f: {  	[tilespmem:s28], [sflag:$0x5] =	stream.indirect_vreg.gather [hbm4b:s4+s2], $0x80, v3, vm0, $0x2000b8;
	[tilespmem:$0x10100] =	vst v63  }
0x70: {  	v3 =	vld [tilespmem:s22+$0x60];
	_ =	sdelay $0x4  }
0x71: {  	v62 =	vshll.u32 v3, $0x1  }
0x72: {  	v3 =	vand.u32 $0x7, v3;
	v4 =	vand.u32 $0xFFFFFFF0, v62  }
0x73: {  	v3 =	vor.u32 v3, v4  }
0x74: {  	v4 =	vperm.xlane v3, v0;
	_ =	sdelay $0x1  }
0x75: {  	v3 =	vperm.xlane v3, v2;
	v4 =	vadd.s32 v1, v4;
	_ =	sdelay $0x1  }
0x76: {  	v3 =	vadd.s32 v1, v3;
	_ =	sdelay $0x1  }
0x77: {  	s29 =	sor.u32 $0x6100, s21  }
0x78: {  	[tilespmem:s29], [sflag:$0x5] =	stream.indirect_vreg.gather [hbm4b:s4+s2], $0x80, v4, vm0, $0x2000b8;
	[tilespmem:$0x10100] =	vst v63  }
0x79: {  	s30 =	sor.u32 $0x6900, s21  }
0x7a: {  	[tilespmem:s30], [sflag:$0x5] =	stream.indirect_vreg.gather [hbm4b:s4+s2], $0x80, v3, vm0, $0x2000b8;
	[tilespmem:$0x10100] =	vst v63  }
0x7b: {  	v3 =	vld [tilespmem:s22+$0x70];
	_ =	sdelay $0x4  }
0x7c: {  	v63 =	vshll.u32 v3, $0x1  }
0x7d: {  	v3 =	vand.u32 $0x7, v3;
	v4 =	vand.u32 $0xFFFFFFF0, v63  }
0x7e: {  	v3 =	vor.u32 v3, v4  }
0x7f: {  	v4 =	vperm.xlane v3, v0;
	_ =	sdelay $0x1  }
0x80: {  	v3 =	vperm.xlane v3, v2;
	v4 =	vadd.s32 v1, v4;
	_ =	sdelay $0x1  }
0x81: {  	v3 =	vadd.s32 v1, v3;
	_ =	sdelay $0x1  }
0x82: {  	p2 =	por !p2, !p2;
	p3 =	seq.s32 s18, s13;
	s31 =	sor.u32 $0x7100, s21  }
0x83: {  	[tilespmem:s31], [sflag:$0x5] =	stream.indirect_vreg.gather [hbm4b:s4+s2], $0x80, v4, vm0, $0x2000b8;
	[tilespmem:$0x10100] =	vst v63  }
0x84: {  	p2 =	por !p2, !p3;
	s21 =	sor.u32 $0x7900, s21  }
0x85: {  	[tilespmem:s21], [sflag:$0x5] =	stream.indirect_vreg.gather [hbm4b:s4+s2], $0x80, v3, vm0, $0x2000b8;
	[tilespmem:$0x10100] =	vst v63  }
0x86: {  	s18 =	sadd.s32 s6, s18;
	p2 =	por !p2, !p2;
	_ =	swait.ge [sflag:s9], $0x8000  }
0x87: {  	s18 =	sshll.u32 @!p2 s18, $0xC;
	p0 =	por p2, p0;
	[sflag:s9] =	ssyncset.done $0x0  }
.Ltmp2:
0x88: {  	s18 =	sand.u32 @!p2 $0x1FFFF000, s18;
	[sflag:s9] =	ssyncadd.s32 $0xFFFF8000;
	(pc) =	sbr.rel @!p0 .LBB2_4-.Ltmp2, $4  }
0x89: {  	s18 =	sadd.s32 @!p2 s1, s18;
	_ =	strace $0x90000054  }
0x8a: {  	s19 =	sadd.s32 @!p2 $0x3, s19;
	s21 =	simm.s32 @!p2 $0x0;
	_ =	strace @!p2 $0x80000055  }
0x8b: {  	[hbm4b:s18+s21] =	stream.linear.scatter @!p2 [tilespmem:s20], [sflag:s19], $0x8000, $0x200038;
	[tilespmem:$0x10100] =	vst v63  }
0x8c: {  	_ =	strace @!p2 $0x90000055  }
.Ltmp3:
0x8d: {  	s18 =	simm.s32 $0x1;
	(pc) =	sbr.rel .LBB2_2-.Ltmp3, $4  }
0x8e: {  	s19 =	simm.s32 @!p2 $0x1;
	s12 =	sadd.s32 s16, s12;
	s18 =	simm.s32 @!p1 $0x0  }
0x8f: {  	s16 =	simm.s32 $0x1;
	s15 =	sadd.s32 s18, s15;
	s18 =	sadd.s32 @!p2 $0x1, s17  }
0x90: {  	p0 =	por $0x0, $0x0;
	s19 =	simm.s32 @p2 $0x0;
	s18 =	smov.u32 @p2 s17  }
0x91: {  	s14 =	sadd.s32 s14, s19;
	p2 =	por $0x1, $0x1;
	s17 =	smov.u32 s18  }
.LBB2_5:
0x92: {  	_ =	sfence.sel $0x180000  }
0x93: {  	[bflag:$0x0] =	sbarrier.arrive $0xFFFF  }
0x94: {  	p0 =	sne.s32 s3, $0x0;
	_ =	strace $0x90000050  }
0x95: {  	s0 =	sadd.s32 @!p0 $0x100000, s0;
	[bflag:$0x2] =	sbarrier.arrive $0xFFFF  }
0x96: {  	[sflag:s0] =	ssyncadd.tile.s32 @!p0 $0x1;
	_ =	shalt  }
.Lfunc_end2:
_tile_overlayer_lowered:
.L_overlay_start_2:
0x97: {  	(tag) =	ssettag $0x2  }
0x98: {  	s0 =	rddreg [dreg:$0x0];
	s2 =	stileid.u32  }
0x99: {  	s1 =	rddreg [dreg:$0x1];
	p0 =	sne.s32 s2, $0x0  }
0x9a: {  	s3 =	rddreg [dreg:$0x2];
	[bflag:$0x3] =	sbarrier.arrive $0xFFFF;
	s2 =	simm.s32 @!p0 $0x1C01  }
0x9b: {  	[timem:s3], [sflag:s2] =	dma.local @!p0 [hbm:s0], s1  }
0x9c: {  	s0 =	simm.s32 @!p0 $0x1  }
0x9d: {  	_ =	swait.ge @!p0 [sflag:s0], s1  }
0x9e: {  	s1 =	ssub.s32 @!p0 $0x0, s1;
	[sflag:s0] =	ssyncset.done @!p0 $0x0  }
0x9f: {  	[sflag:s0] =	ssyncadd.s32 @!p0 s1  }
0xa0: {  	[bflag:$0x3] =	sbarrier.arrive $0xFFFF  }
0xa1: {  	_ =	shalt  }

// kernel: kernel.7.cloned.1.call-start
scs
__scs_entry_jumppad:
0x0: {  	(pc) =	sbr.rel $0x88, $3  }
0x1: {  	(tag) =	ssettag $0x0;
	lr =	simm.s32 $0x1  }
0x2: {  	[smem:$0x3F99] =	sst lr;
	_ =	strace $0xD0000000  }
0x3: {  	_ = 	snop  }
0x4: {  	_ = 	snop  }
0x5: {  	_ = 	snop  }
0x6: {  	_ = 	snop  }
0x7: {  	_ = 	snop  }
__scs_overlays_trampoline_lowered:
0x8: {  	[smem:$0x3FA8] =	sst s0  }
0x9: {  	[smem:$0x3FA9] =	sst s1  }
0xa: {  	[smem:$0x3FAA] =	sst s2  }
0xb: {  	[smem:$0x3FAB] =	sst s3  }
0xc: {  	[smem:$0x3FAC] =	sst s4  }
0xd: {  	[smem:$0x3FAD] =	sst s5  }
0xe: {  	[smem:$0x3FAE] =	sst s6  }
0xf: {  	[smem:$0x3FAF] =	sst s7  }
0x10: {  	[smem:$0x3FB0] =	sst s8  }
0x11: {  	[smem:$0x3FB1] =	sst s9;
	s0 =	simm.s32 @!p0 $0x0  }
0x12: {  	s1 =	sld [smem:$0x3F97];
	s0 =	simm.s32 @p0 $0x1  }
0x13: {  	[smem:$0x3FB2] =	sst s0;
	s0 =	simm.s32 @!p1 $0x0  }
0x14: {  	s2 =	sld [smem:$0x3F96];
	s0 =	simm.s32 @p1 $0x1  }
0x15: {  	[smem:$0x3FB3] =	sst s0;
	s0 =	simm.s32 @!p2 $0x0  }
0x16: {  	s3 =	sld [smem:$0x3FDB];
	s0 =	simm.s32 @p2 $0x1  }
0x17: {  	s4 =	simm.s32 $0x1BF5;
	[smem:$0x3FB5] =	sst s0  }
0x18: {  	s0 =	sld [smem:$0x3F98];
	_ =	swait.ge [sflag:s4], $0x0  }
0x19: {  	s7 =	sld [smem:$0x3F99]  }
0x1a: {  	s8 =	sadd.s32 $0xFFFFE003, lr  }
0x1b: {  	s9 =	sadd.s32 $0xFFFFFEF7, lr;
	s5 =	simm.s32 $0xFFFFFFFF;
	p2 =	slt.u32 s8, $0xFFFFF086  }
0x1c: {  	p1 =	slt.u32 s9, $0xF7A;
	s5 =	simm.s32 @!p2 $0x0  }
0x1d: {  	s5 =	simm.s32 @p1 $0x1;
	p0 =	seq.s32 s7, s2  }
0x1e: {  	s7 =	smul.u32 @!p0 $0xF7A, s2;
	p2 =	seq.s32 @!p0 s5, $0x0  }
0x1f: {  	s9 =	smul.u32 $0xF7A, s1;
	s8 =	simm.s32 @!p0 $0x1BF5;
	p2 =	por !p2, p0  }
0x20: {  	[sflag:s8] =	ssyncset.s32 @!p0 $0xFFFFF086;
	s6 =	sadd.s32 @!p0 s3, s7;
	s7 =	simm.s32 @!p0 $0x108  }
0x21: {  	s3 =	sadd.s32 s3, s9;
	s6 =	sadd.s32 @!p0 $0x88, s6;
	s7 =	simm.s32 @p2 $0x1082  }
0x22: {  	[simem:s7], [sflag:s8] =	dma.local @!p0 [hbm:s6], $0xF7A  }
0x23: {  	s9 =	sor.u32 $0xD0000000, s2;
	s6 =	simm.s32 $0x108;
	_ =	swait.ge @!p0 [sflag:s8], $0x0  }
0x24: {  	s3 =	sadd.s32 $0x88, s3;
	s6 =	simm.s32 @!p1 $0x1082;
	[sflag:s4] =	ssyncset.s32 $0xFFFFF086  }
0x25: {  	[simem:s6], [sflag:s4] =	dma.local [hbm:s3], $0xF7A  }
0x26: {  	[smem:$0x3F99] =	sst s1;
	(tag) =	ssettag s2;
	_ =	strace s9  }
0x27: {  	s1 =	sld [smem:$0x3FA9]  }
0x28: {  	s2 =	sld [smem:$0x3FAA]  }
0x29: {  	s4 =	sld [smem:$0x3FAC]  }
0x2a: {  	p0 =	seq.s32 s5, $0x0;
	s5 =	sld [smem:$0x3FAD]  }
0x2b: {  	s6 =	sld [smem:$0x3FAE]  }
0x2c: {  	s7 =	sld [smem:$0x3FAF]  }
0x2d: {  	s3 =	simm.s32 $0x108;
	s8 =	sld [smem:$0x3FB0]  }
0x2e: {  	s3 =	simm.s32 @!p0 $0x1082;
	s9 =	sld [smem:$0x3FB1]  }
0x2f: {  	lr =	sadd.s32 s0, s3;
	s0 =	sld [smem:$0x3FA8]  }
0x30: {  	s3 =	sld [smem:$0x3FAB]  }
0x31: {  	[smem:$0x3FB4] =	sst s10  }
0x32: {  	s10 =	sld [smem:$0x3FB2];
	_ =	sdelay $0x3  }
0x33: {  	p0 =	seq.s32 s10, $0x1;
	s10 =	sld [smem:$0x3FB4];
	_ =	sdelay $0x3  }
0x34: {  	[smem:$0x3FB4] =	sst s10  }
0x35: {  	s10 =	sld [smem:$0x3FB3];
	_ =	sdelay $0x3  }
0x36: {  	p1 =	seq.s32 s10, $0x1;
	s10 =	sld [smem:$0x3FB4];
	_ =	sdelay $0x3  }
0x37: {  	[smem:$0x3FB4] =	sst s10  }
0x38: {  	s10 =	sld [smem:$0x3FB5]  }
0x39: {  	_ = 	snop;
	(pc) =	sbr.ind lr, $3  }
0x3a: {  	_ = 	snop  }
0x3b: {  	_ = 	snop  }
0x3c: {  	p2 =	seq.s32 s10, $0x1;
	s10 =	sld [smem:$0x3FB4]  }
0x3d: {  	_ =	shalt  }
0x3e: {  	_ =	shalt  }
0x3f: {  	_ =	shalt  }
0x40: {  	_ =	shalt  }
0x41: {  	_ =	shalt  }
0x42: {  	_ =	shalt  }
0x43: {  	_ =	shalt  }
0x44: {  	_ =	shalt  }
0x45: {  	_ =	shalt  }
0x46: {  	_ =	shalt  }
0x47: {  	_ =	shalt  }
0x48: {  	_ =	shalt  }
0x49: {  	_ =	shalt  }
0x4a: {  	_ =	shalt  }
0x4b: {  	_ =	shalt  }
0x4c: {  	_ =	shalt  }
0x4d: {  	_ =	shalt  }
0x4e: {  	_ =	shalt  }
0x4f: {  	_ =	shalt  }
0x50: {  	_ =	shalt  }
0x51: {  	_ =	shalt  }
0x52: {  	_ =	shalt  }
0x53: {  	_ =	shalt  }
0x54: {  	_ =	shalt  }
0x55: {  	_ =	shalt  }
0x56: {  	_ =	shalt  }
0x57: {  	_ =	shalt  }
0x58: {  	_ =	shalt  }
0x59: {  	_ =	shalt  }
0x5a: {  	_ =	shalt  }
0x5b: {  	_ =	shalt  }
0x5c: {  	_ =	shalt  }
0x5d: {  	_ =	shalt  }
0x5e: {  	_ =	shalt  }
0x5f: {  	_ =	shalt  }
0x60: {  	_ =	shalt  }
0x61: {  	_ =	shalt  }
0x62: {  	_ =	shalt  }
0x63: {  	_ =	shalt  }
0x64: {  	_ =	shalt  }
0x65: {  	_ =	shalt  }
0x66: {  	_ =	shalt  }
0x67: {  	_ =	shalt  }
0x68: {  	_ =	shalt  }
0x69: {  	_ =	shalt  }
0x6a: {  	_ =	shalt  }
0x6b: {  	_ =	shalt  }
0x6c: {  	_ =	shalt  }
0x6d: {  	_ =	shalt  }
0x6e: {  	_ =	shalt  }
0x6f: {  	_ =	shalt  }
0x70: {  	_ =	shalt  }
0x71: {  	_ =	shalt  }
0x72: {  	_ =	shalt  }
0x73: {  	_ =	shalt  }
0x74: {  	_ =	shalt  }
0x75: {  	_ =	shalt  }
0x76: {  	_ =	shalt  }
0x77: {  	_ =	shalt  }
0x78: {  	_ =	shalt  }
0x79: {  	_ =	shalt  }
0x7a: {  	_ =	shalt  }
0x7b: {  	_ =	shalt  }
0x7c: {  	_ =	shalt  }
0x7d: {  	_ =	shalt  }
0x7e: {  	_ =	shalt  }
0x7f: {  	_ =	shalt  }
0x80: {  	_ =	shalt  }
0x81: {  	_ =	shalt  }
0x82: {  	_ =	shalt  }
0x83: {  	_ =	shalt  }
0x84: {  	_ =	shalt  }
0x85: {  	_ =	shalt  }
0x86: {  	_ =	shalt  }
0x87: {  	_ =	shalt  }
.Lfunc_end0:
.L_simem_size_0:
called_computation_lowered:
.L_overlay_start_0:
0x88: {  	s2 =	sld [smem:$0x3FD9]  }
0x89: {  	s3 =	sld [smem:$0x3FFE];
	_ =	sdelay $0x1  }
0x8a: {  	s1 =	srdreg.scid  }
0x8b: {  	s0 =	sand.u32 $0x1, s1  }
0x8c: {  	s14 =	sshll.u32 s0, $0xA;
	s2 =	sadd.s32 s3, s2  }
0x8d: {  	s2 =	sadd.s32 s2, s14  }
0x8e: {  	[smem:$0x3FC0] =	sst s2  }
0x8f: {  	_ = 	snop  }
0x90: {  	s2 =	sld [smem:$0x3FD0];
	_ =	sdelay $0x2  }
0x91: {  	s15 =	simm.s32 $0xA;
	s4 =	simm.s32 $0x10  }
0x92: {  	[smem:s4], [sflag:s15] =	dma.local [hbm:s2], $0x1  }
0x93: {  	_ =	swait.eq [sflag:s15], $0x1  }
0x94: {  	[sflag:s15] =	ssyncset.done $0x0  }
0x95: {  	[sflag:s15] =	ssyncadd.s32 $0xFFFFFFFF  }
0x96: {  	s16 =	sld [smem:$0x10];
	(tm) =	ssettm $0x1  }
0x97: {  	s17 =	sld [smem:$0x3FFB];
	_ =	sdelay $0x3  }
0x98: {  	_ =	strace s17  }
0x99: {  	s3 =	sld [smem:$0x3FFC];
	_ =	sdelay $0x3  }
0x9a: {  	_ =	strace s3  }
0x9b: {  	s3 =	sld [smem:$0x3FFD];
	_ =	sdelay $0x3  }
0x9c: {  	_ =	strace s3  }
0x9d: {  	_ =	strace $0x8FFFFFFF  }
0x9e: {  	s18 =	sld [smem:$0x3FDB];
	_ =	sdelay $0x1  }
0x9f: {  	s19 =	simm.s32 $_scs_section_size  }
0xa0: {  	s5 =	simm.s32 $_size__tile_overlayer_lowered;
	s6 =	simm.s32 $_tile_overlayer_lowered  }
0xa1: {  	s22 =	simm.s32 $0x1BFF;
	s21 =	sshll.u32 s6, $0x1;
	s3 =	sadd.s32 s19, s18  }
0xa2: {  	s7 =	simm.s32 $0x0;
	s20 =	sshll.u32 s5, $0x1;
	s5 =	sadd.s32 s21, s3  }
0xa3: {  	[timem:s7], [sflag:s22] =	dma.local [hbm:s5], s20  }
0xa4: {  	_ =	swait.ge [sflag:s22], s20  }
0xa5: {  	s4 =	ssub.s32 $0x0, s20;
	[sflag:s22] =	ssyncset.done $0x0  }
0xa6: {  	[sflag:s22] =	ssyncadd.s32 s4;
	_ =	sdelay $0x1  }
0xa7: {  	s23 =	simm.s32 $0x1B8B  }
0xa8: {  	_ =	swait.ge [sflag:s23], $0x1  }
0xa9: {  	[sflag:s23] =	ssyncset.done $0x0  }
0xaa: {  	s25 =	simm.s32 $0x1B8E;
	s24 =	sld [smem:$0x3FFE];
	[sflag:s23] =	ssyncadd.s32 $0xFFFFFFFF  }
0xab: {  	s26 =	simm.s32 $execute0_lowered;
	[smem:$0x3FD2] =	sst s25  }
0xac: {  	s5 =	sshll.u32 s26, $0x1;
	_ =	strace $0x80000046;
	[dreg:$0x1] =	wrdreg $0xFFFFFFFF  }
0xad: {  	s28 =	simm.s32 $_size_execute0_lowered;
	s3 =	sadd.s32 s3, s5;
	[dreg:$0x0] =	wrdreg $0x0  }
0xae: {  	s5 =	sshll.u32 s28, $0x1;
	[dreg:$0x2] =	wrdreg s3  }
0xaf: {  	[dreg:$0x3] =	wrdreg s5  }
0xb0: {  	[dreg:$0x4] =	wrdreg $0xC0  }
0xb1: {  	_ =	task [dreg:s7], $0x5FFFF  }
0xb2: {  	[dreg:$0x1] =	wrdreg $0xFFFFFFFF  }
0xb3: {  	[dreg:$0x0] =	wrdreg $0x60  }
0xb4: {  	[dreg:$0x2] =	wrdreg s16  }
0xb5: {  	[dreg:$0x3] =	wrdreg s24  }
0xb6: {  	[dreg:$0x4] =	wrdreg $0x9  }
0xb7: {  	_ =	task.clear_ibuf [dreg:s7], $0x5FFFF;
	_ =	strace $0x90000046  }
0xb8: {  	s29 =	simm.s32 $0x9;
	_ =	strace $0x8000004E  }
0xb9: {  	_ =	swait.ge [sflag:s29], $0x1  }
0xba: {  	[sflag:s29] =	ssyncadd.s32 $0xFFFFFFFF  }
0xbb: {  	_ =	strace $0x9000004E  }
0xbc: {  	_ =	sfence  }
0xbd: {  	s30 =	sld [smem:$0x0];
	_ =	sdelay $0x2  }
0xbe: {  	s31 =	sshll.u32 s1, $0xD;
	s1 =	sshrl.u32 s1, $0x2  }
0xbf: {  	s3 =	sand.u32 $0x4000, s31;
	s1 =	sadd.s32 s1, s30  }
0xc0: {  	s0 =	sor.u32 s3, s0;
	s1 =	sshll.u32 s1, $0x11  }
0xc1: {  	s0 =	sor.u32 s1, s0  }
0xc2: {  	s0 =	sadd.s32 $0x8F2B, s0  }
0xc3: {  	[sflag:s0] =	ssyncadd.remote.s32 $0x1  }
0xc4: {  	_ =	sfence.sel $0xFFFF  }
0xc5: {  	[dreg:$0x0] =	wrdreg $0xFFFFFFFF;
	(pc) =	sbr.abs _section_cstart, $3  }
0xc6: {  	[dreg:$0x1] =	wrdreg $0xFFFFFFFF  }
0xc7: {  	_ =	task.clear_ibuf [dreg:s7], $0x2FFFF;
	_ =	strace $0x9FFFFFFF  }
0xc8: {  	(tm) =	ssettm $0x7FFFFFFF  }
0xc9: {  	_ =	shalt  }
tec
execute0_lowered:
.L_overlay_start_1:
0x0: {  	(tag) =	ssettag $0x1  }
0x1: {  	s1 =	rddreg [dreg:$0x0]  }
0x2: {  	s5 =	rddreg [dreg:$0x1]  }
0x3: {  	s0 =	rddreg [dreg:$0x2];
	s2 =	simm.s32 $0x0  }
0x4: {  	s3 =	srdreg.scid;
	s11 =	simm.s32 $0x5;
	s12 =	simm.s32 $0x0  }
0x5: {  	[smem:$0x7FF] =	sst s2;
	s6 =	sand.u32 $0x1, s3;
	s4 =	sadd.s32 $0x29400, s5  }
0x6: {  	s3 =	stileid.u32;
	s7 =	ssub.s32 $0x2, s6;
	s6 =	sshll.u32 s6, $0x4  }
0x7: {  	s5 =	sadd.s32 $0x29800, s5;
	s8 =	sshrl.u32 s7, $0x1;
	s30 =	sor.u32 s3, s6  }
0x8: {  	v2 =	vlaneseq.u32;
	_ =	strace $0x80000047;
	s9 =	ssub.s32 s7, s8;
	s31 =	sshll.u32 s30, $0xD  }
0x9: {  	vm0 =	vmmov $0xffff;
	v1 =	vshrl.u32 v2, $0x3;
	s6 =	sshll.u32 s30, $0x1;
	s10 =	sshll.u32 s30, $0x5;
	s7 =	sadd.s32 s1, s31  }
0xa: {  	v0 =	vand.u32 $0x7, v2;
	v2 =	vor.u32 $0x8, v2;
	v1 =	vmul.u32 $0x8, v1;
	s8 =	sadd.s32 s4, s10;
	s9 =	smax.u32 s9, $0x1;
	s10 =	simm.s32 $0x10000  }
.LBB2_1:
0xb: {  	_ =	strace $0x80000048;
	p2 =	por $0x1, $0x1;
	p0 =	por $0x0, $0x0  }
0xc: {  	[tilespmem:s2], [sflag:$0x1] =	stream.linear.gather [hbm4b:s7+s2], $0x8000, $0x200038;
	[tilespmem:$0x10100] =	vst v63  }
0xd: {  	s13 =	simm.s32 $0x0;
	s14 =	simm.s32 $0x0;
	s15 =	simm.s32 $0x1  }
0xe: {  	[tilespmem:s10], [sflag:$0x3] =	stream.linear.gather [hbm4b:s8+s2], $0x80, $0x200038;
	[tilespmem:$0x10100] =	vst v63  }
0xf: {  	s16 =	simm.s32 $0x0;
	s17 =	simm.s32 $0x1;
	_ =	strace $0x90000048  }
.LBB2_2:
0x10: {  	s18 =	smov.u32 s13;
	s13 =	sadd.s32 $0x1, s13  }
0x11: {  	p3 =	seq.s32 s13, $0x2  }
0x12: {  	s13 =	simm.s32 @p3 $0x0  }
0x13: {  	p1 =	por p2, p2;
	p2 =	seq.s32 @p2 s18, s13  }
0x14: {  	p3 =	por p2, !p1  }
0x15: {  	s19 =	sadd.s32 @!p3 s6, s13  }
0x16: {  	s20 =	sand.u32 @!p3 $0x1, s17;
	_ =	strace @!p3 $0x80000049;
	s21 =	sshll.u32 @!p3 s19, $0xC  }
0x17: {  	s23 =	simm.s32 @!p3 $0x0;
	s22 =	sshll.u32 @!p3 s20, $0xF;
	s21 =	sand.u32 @!p3 $0x1FFFF000, s21  }
0x18: {  	s20 =	sadd.s32 @!p3 $0x1, s20;
	s19 =	sshll.u32 @!p3 s19, $0x4;
	s21 =	sadd.s32 @!p3 s1, s21  }
0x19: {  	[tilespmem:s22], [sflag:s20] =	stream.linear.gather @!p3 [hbm4b:s21+s23], $0x8000, $0x200038;
	[tilespmem:$0x10100] =	vst v63  }
0x1a: {  	s19 =	sand.u32 @!p3 $0x1FFFFFF0, s19;
	s20 =	sand.u32 @!p3 $0x1, s15  }
0x1b: {  	s19 =	sadd.s32 @!p3 s4, s19;
	_ =	strace @!p3 $0x90000049;
	s21 =	sshll.u32 @!p3 s20, $0x7  }
0x1c: {  	s20 =	sadd.s32 @!p3 $0x3, s20;
	_ =	strace @!p3 $0x8000004A;
	s21 =	sor.u32 @!p3 $0x10000, s21  }
0x1d: {  	[tilespmem:s21], [sflag:s20] =	stream.linear.gather @!p3 [hbm4b:s19+s23], $0x80, $0x200038;
	[tilespmem:$0x10100] =	vst v63  }
0x1e: {  	s22 =	sand.u32 $0x1, s16;
	_ =	strace @!p3 $0x9000004A  }
0x1f: {  	s19 =	sadd.s32 $0x1, s22;
	_ =	strace $0x8000004B  }
0x20: {  	_ =	swait.ge [sflag:s19], $0x8000  }
0x21: {  	[sflag:s19] =	ssyncset.done $0x0  }
0x22: {  	[sflag:s19] =	ssyncadd.s32 $0xFFFF8000  }
0x23: {  	s23 =	sand.u32 $0x1, s14;
	_ =	strace $0x9000004B  }
0x24: {  	s19 =	sadd.s32 $0x3, s23;
	_ =	strace $0x8000004C  }
0x25: {  	_ =	swait.ge [sflag:s19], $0x80  }
0x26: {  	[sflag:s19] =	ssyncset.done $0x0  }
0x27: {  	[sflag:s19] =	ssyncadd.s32 $0xFFFFFF80  }
0x28: {  	s24 =	sshll.u32 s14, $0x7;
	_ =	strace $0x9000004C  }
0x29: {  	s20 =	sand.u32 $0x80, s24;
	_ =	strace $0x8000004D  }
0x2a: {  	v3 =	vld [tilespmem:s20+$0x10000];
	_ =	sdelay $0x4  }
0x2b: {  	v4 =	vshll.u32 v3, $0x1  }
0x2c: {  	v3 =	vand.u32 $0x7, v3;
	v4 =	vand.u32 $0xFFFFFFF0, v4  }
0x2d: {  	v3 =	vor.u32 v3, v4  }
0x2e: {  	v4 =	vperm.xlane v3, v0;
	_ =	sdelay $0x1  }
0x2f: {  	v3 =	vperm.xlane v3, v2;
	v4 =	vadd.s32 v1, v4;
	_ =	sdelay $0x1  }
0x30: {  	v3 =	vadd.s32 v1, v3  }
0x31: {  	s25 =	sshll.u32 s16, $0xF  }
0x32: {  	s19 =	sand.u32 $0x8000, s25  }
0x33: {  	[hbm4b:s5+s2] =	stream.indirect_vreg.scatter [tilespmem:s19], [sflag:$0x5], $0x80, v4, vm0, $0x2000b8;
	[tilespmem:$0x10100] =	vst v63  }
0x34: {  	s26 =	sor.u32 $0x800, s19  }
0x35: {  	[hbm4b:s5+s2] =	stream.indirect_vreg.scatter [tilespmem:s26], [sflag:$0x5], $0x80, v3, vm0, $0x2000b8;
	[tilespmem:$0x10100] =	vst v63  }
0x36: {  	v3 =	vld [tilespmem:s20+$0x10010];
	_ =	sdelay $0x4  }
0x37: {  	v57 =	vshll.u32 v3, $0x1  }
0x38: {  	v3 =	vand.u32 $0x7, v3;
	v4 =	vand.u32 $0xFFFFFFF0, v57  }
0x39: {  	v3 =	vor.u32 v3, v4  }
0x3a: {  	v4 =	vperm.xlane v3, v0;
	_ =	sdelay $0x1  }
0x3b: {  	v3 =	vperm.xlane v3, v2;
	v4 =	vadd.s32 v1, v4;
	_ =	sdelay $0x1  }
0x3c: {  	v3 =	vadd.s32 v1, v3;
	_ =	sdelay $0x1  }
0x3d: {  	s28 =	sor.u32 $0x1000, s19  }
0x3e: {  	[hbm4b:s5+s2] =	stream.indirect_vreg.scatter [tilespmem:s28], [sflag:$0x5], $0x80, v4, vm0, $0x2000b8;
	[tilespmem:$0x10100] =	vst v63  }
0x3f: {  	s29 =	sor.u32 $0x1800, s19  }
0x40: {  	[hbm4b:s5+s2] =	stream.indirect_vreg.scatter [tilespmem:s29], [sflag:$0x5], $0x80, v3, vm0, $0x2000b8;
	[tilespmem:$0x10100] =	vst v63  }
0x41: {  	v3 =	vld [tilespmem:s20+$0x10020];
	_ =	sdelay $0x4  }
0x42: {  	v58 =	vshll.u32 v3, $0x1  }
0x43: {  	v3 =	vand.u32 $0x7, v3;
	v4 =	vand.u32 $0xFFFFFFF0, v58  }
0x44: {  	v3 =	vor.u32 v3, v4  }
0x45: {  	v4 =	vperm.xlane v3, v0;
	_ =	sdelay $0x1  }
0x46: {  	v3 =	vperm.xlane v3, v2;
	v4 =	vadd.s32 v1, v4;
	_ =	sdelay $0x1  }
0x47: {  	v3 =	vadd.s32 v1, v3;
	_ =	sdelay $0x1  }
0x48: {  	s30 =	sor.u32 $0x2000, s19  }
0x49: {  	[hbm4b:s5+s2] =	stream.indirect_vreg.scatter [tilespmem:s30], [sflag:$0x5], $0x80, v4, vm0, $0x2000b8;
	[tilespmem:$0x10100] =	vst v63  }
0x4a: {  	s31 =	sor.u32 $0x2800, s19  }
0x4b: {  	[hbm4b:s5+s2] =	stream.indirect_vreg.scatter [tilespmem:s31], [sflag:$0x5], $0x80, v3, vm0, $0x2000b8;
	[tilespmem:$0x10100] =	vst v63  }
0x4c: {  	v3 =	vld [tilespmem:s20+$0x10030];
	_ =	sdelay $0x4  }
0x4d: {  	v59 =	vshll.u32 v3, $0x1  }
0x4e: {  	v3 =	vand.u32 $0x7, v3;
	v4 =	vand.u32 $0xFFFFFFF0, v59  }
0x4f: {  	v3 =	vor.u32 v3, v4  }
0x50: {  	v4 =	vperm.xlane v3, v0;
	_ =	sdelay $0x1  }
0x51: {  	v3 =	vperm.xlane v3, v2;
	v4 =	vadd.s32 v1, v4;
	_ =	sdelay $0x1  }
0x52: {  	v3 =	vadd.s32 v1, v3;
	_ =	sdelay $0x1  }
0x53: {  	s22 =	sor.u32 $0x3000, s19  }
0x54: {  	[hbm4b:s5+s2] =	stream.indirect_vreg.scatter [tilespmem:s22], [sflag:$0x5], $0x80, v4, vm0, $0x2000b8;
	[tilespmem:$0x10100] =	vst v63  }
0x55: {  	s23 =	sor.u32 $0x3800, s19  }
0x56: {  	[hbm4b:s5+s2] =	stream.indirect_vreg.scatter [tilespmem:s23], [sflag:$0x5], $0x80, v3, vm0, $0x2000b8;
	[tilespmem:$0x10100] =	vst v63  }
0x57: {  	v3 =	vld [tilespmem:s20+$0x10040];
	_ =	sdelay $0x4  }
0x58: {  	v60 =	vshll.u32 v3, $0x1  }
0x59: {  	v3 =	vand.u32 $0x7, v3;
	v4 =	vand.u32 $0xFFFFFFF0, v60  }
0x5a: {  	v3 =	vor.u32 v3, v4  }
0x5b: {  	v4 =	vperm.xlane v3, v0;
	_ =	sdelay $0x1  }
0x5c: {  	v3 =	vperm.xlane v3, v2;
	v4 =	vadd.s32 v1, v4;
	_ =	sdelay $0x1  }
0x5d: {  	v3 =	vadd.s32 v1, v3;
	_ =	sdelay $0x1  }
0x5e: {  	s24 =	sor.u32 $0x4000, s19  }
0x5f: {  	[hbm4b:s5+s2] =	stream.indirect_vreg.scatter [tilespmem:s24], [sflag:$0x5], $0x80, v4, vm0, $0x2000b8;
	[tilespmem:$0x10100] =	vst v63  }
0x60: {  	s25 =	sor.u32 $0x4800, s19  }
0x61: {  	[hbm4b:s5+s2] =	stream.indirect_vreg.scatter [tilespmem:s25], [sflag:$0x5], $0x80, v3, vm0, $0x2000b8;
	[tilespmem:$0x10100] =	vst v63  }
0x62: {  	v3 =	vld [tilespmem:s20+$0x10050];
	_ =	sdelay $0x4  }
0x63: {  	v61 =	vshll.u32 v3, $0x1  }
0x64: {  	v3 =	vand.u32 $0x7, v3;
	v4 =	vand.u32 $0xFFFFFFF0, v61  }
0x65: {  	v3 =	vor.u32 v3, v4  }
0x66: {  	v4 =	vperm.xlane v3, v0;
	_ =	sdelay $0x1  }
0x67: {  	v3 =	vperm.xlane v3, v2;
	v4 =	vadd.s32 v1, v4;
	_ =	sdelay $0x1  }
0x68: {  	v3 =	vadd.s32 v1, v3;
	_ =	sdelay $0x1  }
0x69: {  	s26 =	sor.u32 $0x5000, s19  }
0x6a: {  	[hbm4b:s5+s2] =	stream.indirect_vreg.scatter [tilespmem:s26], [sflag:$0x5], $0x80, v4, vm0, $0x2000b8;
	[tilespmem:$0x10100] =	vst v63  }
0x6b: {  	s28 =	sor.u32 $0x5800, s19  }
0x6c: {  	[hbm4b:s5+s2] =	stream.indirect_vreg.scatter [tilespmem:s28], [sflag:$0x5], $0x80, v3, vm0, $0x2000b8;
	[tilespmem:$0x10100] =	vst v63  }
0x6d: {  	v3 =	vld [tilespmem:s20+$0x10060];
	_ =	sdelay $0x4  }
0x6e: {  	v62 =	vshll.u32 v3, $0x1  }
0x6f: {  	v3 =	vand.u32 $0x7, v3;
	v4 =	vand.u32 $0xFFFFFFF0, v62  }
0x70: {  	v3 =	vor.u32 v3, v4  }
0x71: {  	v4 =	vperm.xlane v3, v0;
	_ =	sdelay $0x1  }
0x72: {  	v3 =	vperm.xlane v3, v2;
	v4 =	vadd.s32 v1, v4;
	_ =	sdelay $0x1  }
0x73: {  	v3 =	vadd.s32 v1, v3;
	_ =	sdelay $0x1  }
0x74: {  	s29 =	sor.u32 $0x6000, s19  }
0x75: {  	[hbm4b:s5+s2] =	stream.indirect_vreg.scatter [tilespmem:s29], [sflag:$0x5], $0x80, v4, vm0, $0x2000b8;
	[tilespmem:$0x10100] =	vst v63  }
0x76: {  	s30 =	sor.u32 $0x6800, s19  }
0x77: {  	[hbm4b:s5+s2] =	stream.indirect_vreg.scatter [tilespmem:s30], [sflag:$0x5], $0x80, v3, vm0, $0x2000b8;
	[tilespmem:$0x10100] =	vst v63  }
0x78: {  	v3 =	vld [tilespmem:s20+$0x10070];
	_ =	sdelay $0x4  }
0x79: {  	v63 =	vshll.u32 v3, $0x1  }
0x7a: {  	v3 =	vand.u32 $0x7, v3;
	v4 =	vand.u32 $0xFFFFFFF0, v63  }
0x7b: {  	v3 =	vor.u32 v3, v4  }
0x7c: {  	v4 =	vperm.xlane v3, v0;
	_ =	sdelay $0x1  }
0x7d: {  	v3 =	vperm.xlane v3, v2;
	v4 =	vadd.s32 v1, v4;
	_ =	sdelay $0x1  }
0x7e: {  	p6 =	sne.s32 s18, s13;
	v3 =	vadd.s32 v1, v3  }
0x7f: {  	s18 =	simm.s32 $0x1;
	p0 =	por p0, p6  }
0x80: {  	p2 =	por !p2, !p1;
	s18 =	simm.s32 @!p0 $0x0;
	s31 =	sor.u32 $0x7000, s19  }
0x81: {  	[hbm4b:s5+s2] =	stream.indirect_vreg.scatter [tilespmem:s31], [sflag:$0x5], $0x80, v4, vm0, $0x2000b8;
	[tilespmem:$0x10100] =	vst v63  }
0x82: {  	p0 =	por $0x1, $0x1;
	s21 =	simm.s32 $0x0;
	s19 =	sor.u32 $0x7800, s19  }
0x83: {  	[hbm4b:s5+s2] =	stream.indirect_vreg.scatter [tilespmem:s19], [sflag:$0x5], $0x80, v3, vm0, $0x2000b8;
	[tilespmem:$0x10100] =	vst v63  }
.Ltmp0:
0x84: {  	s16 =	sadd.s32 s18, s16;
	s21 =	simm.s32 @p2 $0x1;
	(pc) =	sbr.rel @p1 .LBB2_2-.Ltmp0, $4  }
0x85: {  	s14 =	sadd.s32 s18, s14;
	s21 =	simm.s32 @!p1 $0x0;
	_ =	swait.ge [sflag:s11], $0x8000  }
0x86: {  	s23 =	smov.u32 s17;
	s20 =	sadd.s32 @!p3 $0x1, s17;
	[sflag:s11] =	ssyncset.done $0x0  }
0x87: {  	s15 =	sadd.s32 s15, s21;
	s23 =	smov.u32 @p2 s20;
	[sflag:s11] =	ssyncadd.s32 $0xFFFF8000  }
0x88: {  	p2 =	por $0x0, $0x0;
	s17 =	smov.u32 @p1 s23;
	_ =	strace $0x9000004D  }
0x89: {  	s12 =	sadd.s32 $0x1, s12  }
0x8a: {  	p0 =	sne.s32 s12, s9  }
.Ltmp1:
0x8b: {  	_ = 	snop;
	(pc) =	sbr.rel @p0 .LBB2_1-.Ltmp1, $1  }
0x8c: {  	_ =	sdelay $0x3  }
0x8d: {  	_ =	sfence.sel $0x180000  }
0x8e: {  	[bflag:$0x0] =	sbarrier.arrive $0xFFFF  }
0x8f: {  	p0 =	sne.s32 s3, $0x0;
	_ =	strace $0x90000047  }
0x90: {  	s0 =	sadd.s32 @!p0 $0x100000, s0;
	[bflag:$0x2] =	sbarrier.arrive $0xFFFF  }
0x91: {  	[sflag:s0] =	ssyncadd.tile.s32 @!p0 $0x1;
	_ =	shalt  }
.Lfunc_end2:
_tile_overlayer_lowered:
.L_overlay_start_2:
0x92: {  	(tag) =	ssettag $0x2  }
0x93: {  	s0 =	rddreg [dreg:$0x0];
	s2 =	stileid.u32  }
0x94: {  	s1 =	rddreg [dreg:$0x1];
	p0 =	sne.s32 s2, $0x0  }
0x95: {  	s3 =	rddreg [dreg:$0x2];
	[bflag:$0x3] =	sbarrier.arrive $0xFFFF;
	s2 =	simm.s32 @!p0 $0x1C01  }
0x96: {  	[timem:s3], [sflag:s2] =	dma.local @!p0 [hbm:s0], s1  }
0x97: {  	s0 =	simm.s32 @!p0 $0x1  }
0x98: {  	_ =	swait.ge @!p0 [sflag:s0], s1  }
0x99: {  	s1 =	ssub.s32 @!p0 $0x0, s1;
	[sflag:s0] =	ssyncset.done @!p0 $0x0  }
0x9a: {  	[sflag:s0] =	ssyncadd.s32 @!p0 s1  }
0x9b: {  	[bflag:$0x3] =	sbarrier.arrive $0xFFFF  }
0x9c: {  	_ =	shalt  }

</sc_bundles>
